<compile_context>
chip_gen: v7x
topology: tpu7x:2x2x1
jax: 0.10.2.dev20260603
libtpu: 0.0.44.dev20260713+nightly
codegen_flags: <defaults>
</compile_context>

<pallas_src>
import functools

import jax
import jax.numpy as jnp
from jax import lax
from jax.experimental import pallas as pl
from jax.experimental.pallas import tpu as pltpu
from jax.experimental.pallas import tpu_sc as plsc

N = 10000
E = 320000
D = 128
G = 64

NC = 2
NS = 16
NW = NC * NS
EW = E // NW
CH = 80
NCH = EW // CH
NP = NS * 640
RW = NP // NS

_MESH = plsc.VectorSubcoreMesh(core_axis_name="c", subcore_axis_name="s")


@functools.partial(
    pl.kernel,
    out_type=jax.ShapeDtypeStruct((NC, NP), jnp.float32),
    mesh=_MESH,
    scratch_types=[
        pltpu.VMEM((CH,), jnp.int32),
        pltpu.VMEM((CH,), jnp.float32),
        pltpu.VMEM((RW,), jnp.float32),
        pltpu.VMEM_SHARED((NP,), jnp.float32),
    ],
)
def _sc_degree(dst_hbm, out_hbm, idx_v, ones_v, zbuf_v, acc_sh):
    c = lax.axis_index("c")
    s = lax.axis_index("s")
    wid = c * NS + s
    for k in range(CH // 16):
        ones_v[pl.ds(k * 16, 16)] = jnp.ones((16,), jnp.float32)
    for k in range(RW // 16):
        zbuf_v[pl.ds(k * 16, 16)] = jnp.zeros((16,), jnp.float32)
    pltpu.sync_copy(zbuf_v, acc_sh.at[pl.ds(s * RW, RW)])
    plsc.subcore_barrier()

    def body(i, carry):
        base = wid * EW + i * CH
        pltpu.sync_copy(dst_hbm.at[pl.ds(base, CH)], idx_v)
        pltpu.sync_copy(ones_v, acc_sh.at[idx_v], add=True)
        return carry

    lax.fori_loop(0, NCH, body, 0)
    plsc.subcore_barrier()
    pltpu.sync_copy(acc_sh.at[pl.ds(s * RW, RW)], out_hbm.at[c, pl.ds(s * RW, RW)])


@functools.partial(
    pl.kernel,
    out_type=jax.ShapeDtypeStruct((NC, NP, D), jnp.float32),
    mesh=_MESH,
    scratch_types=[
        pltpu.VMEM((CH,), jnp.int32),
        pltpu.VMEM((CH,), jnp.int32),
        pltpu.VMEM((CH, D), jnp.float32),
        pltpu.VMEM_SHARED((NP, D), jnp.float32),
        pltpu.SemaphoreType.DMA,
    ],
)
def _sc_aggregate(h_hbm, src_hbm, dst_hbm, zeros_hbm, out_hbm,
                  src_v, dst_v, rows_v, acc_sh, sem):
    c = lax.axis_index("c")
    s = lax.axis_index("s")
    wid = c * NS + s
    pltpu.sync_copy(zeros_hbm.at[pl.ds(s * RW, RW)], acc_sh.at[pl.ds(s * RW, RW)])
    plsc.subcore_barrier()

    def body(i, carry):
        base = wid * EW + i * CH
        pltpu.sync_copy(src_hbm.at[pl.ds(base, CH)], src_v)
        pltpu.sync_copy(dst_hbm.at[pl.ds(base, CH)], dst_v)
        pltpu.async_copy(h_hbm.at[src_v], rows_v, sem).wait()
        pltpu.sync_copy(rows_v, acc_sh.at[dst_v], add=True)
        return carry

    lax.fori_loop(0, NCH, body, 0)
    plsc.subcore_barrier()
    pltpu.sync_copy(acc_sh.at[pl.ds(s * RW, RW)], out_hbm.at[c, pl.ds(s * RW, RW)])


def _tc1(x_ref, w1_ref, degpt_ref, hs_ref, dis_ref):
    deg = degpt_ref[:, 0:1] + degpt_ref[:, 1:2] + 1.0
    dis = lax.rsqrt(deg[:N, :])
    dis_ref[...] = dis
    h = jnp.dot(x_ref[...], w1_ref[...], preferred_element_type=jnp.float32)
    hs_ref[...] = h * dis


def _tc2(p_ref, hs1_ref, dis_ref, b1_ref, w2_ref, hs2_ref):
    agg = p_ref[0] + p_ref[1]
    agg = agg[:N, :] + hs1_ref[...]
    dis = dis_ref[...]
    z = jnp.maximum(agg * dis + b1_ref[...], 0.0)
    hs2_ref[...] = jnp.dot(z, w2_ref[...], preferred_element_type=jnp.float32) * dis


def _tc3(p_ref, hs2_ref, dis_ref, b2_ref, batch_ref, wfc_ref, bfc_ref, out_ref):
    agg = p_ref[0] + p_ref[1]
    agg = agg[:N, :] + hs2_ref[...]
    z = jnp.maximum(agg * dis_ref[...] + b2_ref[...], 0.0)
    sel = (batch_ref[...] == lax.broadcasted_iota(jnp.int32, (G, 1), 0))
    sel = sel.astype(jnp.float32)
    sums = jnp.dot(sel, z, preferred_element_type=jnp.float32)
    counts = jnp.sum(sel, axis=1, keepdims=True)
    pooled = sums / jnp.maximum(counts, 1.0)
    logits = jnp.dot(pooled, wfc_ref[...], preferred_element_type=jnp.float32)
    out_ref[...] = jax.nn.sigmoid(logits + bfc_ref[...])


def kernel(x, edge_index, batch, W1, b1, W2, b2, Wfc, bfc):
    src = edge_index[0]
    dst = edge_index[1]

    degp = _sc_degree(dst)
    degpt = degp.T

    hs1, dis = pl.pallas_call(
        _tc1,
        out_shape=[jax.ShapeDtypeStruct((N, D), jnp.float32),
                   jax.ShapeDtypeStruct((N, 1), jnp.float32)],
    )(x, W1, degpt)

    zeros_nd = jnp.zeros((NP, D), jnp.float32)
    p1 = _sc_aggregate(hs1, src, dst, zeros_nd)

    hs2 = pl.pallas_call(
        _tc2,
        out_shape=jax.ShapeDtypeStruct((N, D), jnp.float32),
    )(p1, hs1, dis, b1, W2)

    p2 = _sc_aggregate(hs2, src, dst, zeros_nd)

    out = pl.pallas_call(
        _tc3,
        out_shape=jax.ShapeDtypeStruct((G, 1), jnp.float32),
    )(p2, hs2, dis, b2, batch[None], Wfc, bfc)
    return out

# --- scband reference (transcript-rebuilt; emitter-appended) ---
"""Pipeline reference for scband-gcn-8177617732163 (READ-ONLY COPY).

The authoritative reference and input builder live on the scoring server;
editing this copy changes nothing except your own understanding.
"""

import jax, jax.numpy as jnp
import numpy as np

N = 10000
E = 320000
D_IN = 128
D_HID = 128
D_OUT = 1
G = 64


def setup_inputs(seed: int = 0) -> dict:
    key = jax.random.key(seed)
    ks = jax.random.split(key, 10)
    x = jax.random.normal(ks[0], (N, D_IN), dtype=jnp.float32)
    edge_index = jax.random.randint(ks[1], (2, E), 0, N, dtype=jnp.int32)
    batch = jnp.sort(jax.random.randint(ks[2], (N,), 0, G, dtype=jnp.int32))
    s1 = 1.0 / np.sqrt(D_IN)
    s2 = 1.0 / np.sqrt(D_HID)
    W1 = jax.random.uniform(ks[3], (D_IN, D_HID), jnp.float32, -s1, s1)
    b1 = jax.random.uniform(ks[4], (D_HID,), jnp.float32, -s1, s1)
    W2 = jax.random.uniform(ks[5], (D_HID, D_HID), jnp.float32, -s2, s2)
    b2 = jax.random.uniform(ks[6], (D_HID,), jnp.float32, -s2, s2)
    Wfc = jax.random.uniform(ks[7], (D_HID, D_OUT), jnp.float32, -s2, s2)
    bfc = jax.random.uniform(ks[8], (D_OUT,), jnp.float32, -s2, s2)
    return {"x": x, "edge_index": edge_index, "batch": batch,
            "W1": W1, "b1": b1, "W2": W2, "b2": b2, "Wfc": Wfc, "bfc": bfc}


def _gcn_conv(x, src, dst, W, b):
    n = x.shape[0]
    deg = jnp.zeros((n,), dtype=jnp.float32).at[dst].add(1.0)
    dis = jnp.where(deg > 0, 1.0 / jnp.sqrt(jnp.maximum(deg, 1.0)), 0.0)
    norm = dis[src] * dis[dst]
    h = x @ W
    msg = h[src] * norm[:, None]
    out = jnp.zeros((n, W.shape[1]), dtype=jnp.float32).at[dst].add(msg)
    return out + b


def reference(x, edge_index, batch, W1, b1, W2, b2, Wfc, bfc):
    loops = jnp.arange(N, dtype=edge_index.dtype)
    src = jnp.concatenate([edge_index[0], loops])
    dst = jnp.concatenate([edge_index[1], loops])
    h = jax.nn.relu(_gcn_conv(x, src, dst, W1, b1))
    h = jax.nn.relu(_gcn_conv(h, src, dst, W2, b2))
    sums = jax.ops.segment_sum(h, batch, num_segments=G)
    counts = jax.ops.segment_sum(jnp.ones((N,), dtype=jnp.float32), batch, num_segments=G)
    pooled = sums / jnp.maximum(counts, 1.0)[:, None]
    return jax.nn.sigmoid(pooled @ Wfc + bfc)

if __name__ == "__main__":
    import jax
    _d = setup_inputs()
    print(jax.jit(kernel)(*tuple(_d.values())))

</pallas_src>

<mosaic_0001>
#map = affine_map<(d0, d1) -> (0)>
#map1 = affine_map<(d0, d1) -> (0, 0)>
module attributes {stable_mosaic.version = 14 : i64} {
  func.func @_sc_degree(%arg0: i32, %arg1: i32, %arg2: memref<320000xi32, #tpu.memory_space<hbm>>, %arg3: memref<2x10240xf32, #tpu.memory_space<hbm>>, %arg4: memref<80xi32, #tpu.memory_space<vmem>>, %arg5: memref<80xf32, #tpu.memory_space<vmem>>, %arg6: memref<640xf32, #tpu.memory_space<vmem>>, %arg7: memref<10240xf32, #tpu.memory_space<vmem_shared>>) attributes {dimension_semantics = [#tpu.dimension_semantics<core_parallel>, #tpu.dimension_semantics<subcore_parallel>], iteration_bounds = array<i64: 2, 16>, scalar_prefetch = 0 : i64, scratch_operands = 4 : i64, tpu.core_type = #tpu.core_type<sc_vector_subcore>, window_params = [{transform_indices = #map}, {transform_indices = #map1}]} {
    %mul3A = arith.constant 16 : i32
    %mul3A_0 = arith.muli %arg0, %mul3A : i32
    %add3A = arith.addi %mul3A_0, %arg1 : i32
    %broadcast_in_dim3A = arith.constant 1.000000e+00 : f32
    %broadcast_in_dim3A_1 = vector.broadcast %broadcast_in_dim3A : f32 to vector<16xf32>
    %swap3A = arith.constant 0 : index
    %swap3A_2 = tpu.vector_load %arg5[%swap3A] {strides = array<i32>} : memref<80xf32, #tpu.memory_space<vmem>>, vector<16xf32>,
    %swap3A_3 = vector.shape_cast %swap3A_2 : vector<16xf32> to vector<16xf32>
    %swap3A_4 = vector.shape_cast %broadcast_in_dim3A_1 : vector<16xf32> to vector<16xf32>
    tpu.vector_store %arg5[%swap3A], %swap3A_4 {strides = array<i32>} : memref<80xf32, #tpu.memory_space<vmem>>, vector<16xf32>,
    %broadcast_in_dim3A_5 = arith.constant 1.000000e+00 : f32
    %broadcast_in_dim3A_6 = vector.broadcast %broadcast_in_dim3A_5 : f32 to vector<16xf32>
    %swap3A_7 = arith.constant 16 : index
    %swap3A_8 = tpu.vector_load %arg5[%swap3A_7] {strides = array<i32>} : memref<80xf32, #tpu.memory_space<vmem>>, vector<16xf32>,
    %swap3A_9 = vector.shape_cast %swap3A_8 : vector<16xf32> to vector<16xf32>
    %swap3A_10 = vector.shape_cast %broadcast_in_dim3A_6 : vector<16xf32> to vector<16xf32>
    tpu.vector_store %arg5[%swap3A_7], %swap3A_10 {strides = array<i32>} : memref<80xf32, #tpu.memory_space<vmem>>, vector<16xf32>,
    %broadcast_in_dim3A_11 = arith.constant 1.000000e+00 : f32
    %broadcast_in_dim3A_12 = vector.broadcast %broadcast_in_dim3A_11 : f32 to vector<16xf32>
    %swap3A_13 = arith.constant 32 : index
    %swap3A_14 = tpu.vector_load %arg5[%swap3A_13] {strides = array<i32>} : memref<80xf32, #tpu.memory_space<vmem>>, vector<16xf32>,
    %swap3A_15 = vector.shape_cast %swap3A_14 : vector<16xf32> to vector<16xf32>
    %swap3A_16 = vector.shape_cast %broadcast_in_dim3A_12 : vector<16xf32> to vector<16xf32>
    tpu.vector_store %arg5[%swap3A_13], %swap3A_16 {strides = array<i32>} : memref<80xf32, #tpu.memory_space<vmem>>, vector<16xf32>,
    %broadcast_in_dim3A_17 = arith.constant 1.000000e+00 : f32
    %broadcast_in_dim3A_18 = vector.broadcast %broadcast_in_dim3A_17 : f32 to vector<16xf32>
    %swap3A_19 = arith.constant 48 : index
    %swap3A_20 = tpu.vector_load %arg5[%swap3A_19] {strides = array<i32>} : memref<80xf32, #tpu.memory_space<vmem>>, vector<16xf32>,
    %swap3A_21 = vector.shape_cast %swap3A_20 : vector<16xf32> to vector<16xf32>
    %swap3A_22 = vector.shape_cast %broadcast_in_dim3A_18 : vector<16xf32> to vector<16xf32>
    tpu.vector_store %arg5[%swap3A_19], %swap3A_22 {strides = array<i32>} : memref<80xf32, #tpu.memory_space<vmem>>, vector<16xf32>,
    %broadcast_in_dim3A_23 = arith.constant 1.000000e+00 : f32
    %broadcast_in_dim3A_24 = vector.broadcast %broadcast_in_dim3A_23 : f32 to vector<16xf32>
    %swap3A_25 = arith.constant 64 : index
    %swap3A_26 = tpu.vector_load %arg5[%swap3A_25] {strides = array<i32>} : memref<80xf32, #tpu.memory_space<vmem>>, vector<16xf32>,
    %swap3A_27 = vector.shape_cast %swap3A_26 : vector<16xf32> to vector<16xf32>
    %swap3A_28 = vector.shape_cast %broadcast_in_dim3A_24 : vector<16xf32> to vector<16xf32>
    tpu.vector_store %arg5[%swap3A_25], %swap3A_28 {strides = array<i32>} : memref<80xf32, #tpu.memory_space<vmem>>, vector<16xf32>,
    %broadcast_in_dim3A_29 = arith.constant 0.000000e+00 : f32
    %broadcast_in_dim3A_30 = vector.broadcast %broadcast_in_dim3A_29 : f32 to vector<16xf32>
    %swap3A_31 = arith.constant 0 : index
    %swap3A_32 = tpu.vector_load %arg6[%swap3A_31] {strides = array<i32>} : memref<640xf32, #tpu.memory_space<vmem>>, vector<16xf32>,
    %swap3A_33 = vector.shape_cast %swap3A_32 : vector<16xf32> to vector<16xf32>
    %swap3A_34 = vector.shape_cast %broadcast_in_dim3A_30 : vector<16xf32> to vector<16xf32>
    tpu.vector_store %arg6[%swap3A_31], %swap3A_34 {strides = array<i32>} : memref<640xf32, #tpu.memory_space<vmem>>, vector<16xf32>,
    %broadcast_in_dim3A_35 = arith.constant 0.000000e+00 : f32
    %broadcast_in_dim3A_36 = vector.broadcast %broadcast_in_dim3A_35 : f32 to vector<16xf32>
    %swap3A_37 = arith.constant 16 : index
    %swap3A_38 = tpu.vector_load %arg6[%swap3A_37] {strides = array<i32>} : memref<640xf32, #tpu.memory_space<vmem>>, vector<16xf32>,
    %swap3A_39 = vector.shape_cast %swap3A_38 : vector<16xf32> to vector<16xf32>
    %swap3A_40 = vector.shape_cast %broadcast_in_dim3A_36 : vector<16xf32> to vector<16xf32>
    tpu.vector_store %arg6[%swap3A_37], %swap3A_40 {strides = array<i32>} : memref<640xf32, #tpu.memory_space<vmem>>, vector<16xf32>,
    %broadcast_in_dim3A_41 = arith.constant 0.000000e+00 : f32
    %broadcast_in_dim3A_42 = vector.broadcast %broadcast_in_dim3A_41 : f32 to vector<16xf32>
    %swap3A_43 = arith.constant 32 : index
    %swap3A_44 = tpu.vector_load %arg6[%swap3A_43] {strides = array<i32>} : memref<640xf32, #tpu.memory_space<vmem>>, vector<16xf32>,
    %swap3A_45 = vector.shape_cast %swap3A_44 : vector<16xf32> to vector<16xf32>
    %swap3A_46 = vector.shape_cast %broadcast_in_dim3A_42 : vector<16xf32> to vector<16xf32>
    tpu.vector_store %arg6[%swap3A_43], %swap3A_46 {strides = array<i32>} : memref<640xf32, #tpu.memory_space<vmem>>, vector<16xf32>,
    %broadcast_in_dim3A_47 = arith.constant 0.000000e+00 : f32
    %broadcast_in_dim3A_48 = vector.broadcast %broadcast_in_dim3A_47 : f32 to vector<16xf32>
    %swap3A_49 = arith.constant 48 : index
    %swap3A_50 = tpu.vector_load %arg6[%swap3A_49] {strides = array<i32>} : memref<640xf32, #tpu.memory_space<vmem>>, vector<16xf32>,
    %swap3A_51 = vector.shape_cast %swap3A_50 : vector<16xf32> to vector<16xf32>
    %swap3A_52 = vector.shape_cast %broadcast_in_dim3A_48 : vector<16xf32> to vector<16xf32>
    tpu.vector_store %arg6[%swap3A_49], %swap3A_52 {strides = array<i32>} : memref<640xf32, #tpu.memory_space<vmem>>, vector<16xf32>,
    %broadcast_in_dim3A_53 = arith.constant 0.000000e+00 : f32
    %broadcast_in_dim3A_54 = vector.broadcast %broadcast_in_dim3A_53 : f32 to vector<16xf32>
    %swap3A_55 = arith.constant 64 : index
    %swap3A_56 = tpu.vector_load %arg6[%swap3A_55] {strides = array<i32>} : memref<640xf32, #tpu.memory_space<vmem>>, vector<16xf32>,
    %swap3A_57 = vector.shape_cast %swap3A_56 : vector<16xf32> to vector<16xf32>
    %swap3A_58 = vector.shape_cast %broadcast_in_dim3A_54 : vector<16xf32> to vector<16xf32>
    tpu.vector_store %arg6[%swap3A_55], %swap3A_58 {strides = array<i32>} : memref<640xf32, #tpu.memory_space<vmem>>, vector<16xf32>,
    %broadcast_in_dim3A_59 = arith.constant 0.000000e+00 : f32
    %broadcast_in_dim3A_60 = vector.broadcast %broadcast_in_dim3A_59 : f32 to vector<16xf32>
    %swap3A_61 = arith.constant 80 : index
    %swap3A_62 = tpu.vector_load %arg6[%swap3A_61] {strides = array<i32>} : memref<640xf32, #tpu.memory_space<vmem>>, vector<16xf32>,
    %swap3A_63 = vector.shape_cast %swap3A_62 : vector<16xf32> to vector<16xf32>
    %swap3A_64 = vector.shape_cast %broadcast_in_dim3A_60 : vector<16xf32> to vector<16xf32>
    tpu.vector_store %arg6[%swap3A_61], %swap3A_64 {strides = array<i32>} : memref<640xf32, #tpu.memory_space<vmem>>, vector<16xf32>,
    %broadcast_in_dim3A_65 = arith.constant 0.000000e+00 : f32
    %broadcast_in_dim3A_66 = vector.broadcast %broadcast_in_dim3A_65 : f32 to vector<16xf32>
    %swap3A_67 = arith.constant 96 : index
    %swap3A_68 = tpu.vector_load %arg6[%swap3A_67] {strides = array<i32>} : memref<640xf32, #tpu.memory_space<vmem>>, vector<16xf32>,
    %swap3A_69 = vector.shape_cast %swap3A_68 : vector<16xf32> to vector<16xf32>
    %swap3A_70 = vector.shape_cast %broadcast_in_dim3A_66 : vector<16xf32> to vector<16xf32>
    tpu.vector_store %arg6[%swap3A_67], %swap3A_70 {strides = array<i32>} : memref<640xf32, #tpu.memory_space<vmem>>, vector<16xf32>,
    %broadcast_in_dim3A_71 = arith.constant 0.000000e+00 : f32
    %broadcast_in_dim3A_72 = vector.broadcast %broadcast_in_dim3A_71 : f32 to vector<16xf32>
    %swap3A_73 = arith.constant 112 : index
    %swap3A_74 = tpu.vector_load %arg6[%swap3A_73] {strides = array<i32>} : memref<640xf32, #tpu.memory_space<vmem>>, vector<16xf32>,
    %swap3A_75 = vector.shape_cast %swap3A_74 : vector<16xf32> to vector<16xf32>
    %swap3A_76 = vector.shape_cast %broadcast_in_dim3A_72 : vector<16xf32> to vector<16xf32>
    tpu.vector_store %arg6[%swap3A_73], %swap3A_76 {strides = array<i32>} : memref<640xf32, #tpu.memory_space<vmem>>, vector<16xf32>,
    %broadcast_in_dim3A_77 = arith.constant 0.000000e+00 : f32
    %broadcast_in_dim3A_78 = vector.broadcast %broadcast_in_dim3A_77 : f32 to vector<16xf32>
    %swap3A_79 = arith.constant 128 : index
    %swap3A_80 = tpu.vector_load %arg6[%swap3A_79] {strides = array<i32>} : memref<640xf32, #tpu.memory_space<vmem>>, vector<16xf32>,
    %swap3A_81 = vector.shape_cast %swap3A_80 : vector<16xf32> to vector<16xf32>
    %swap3A_82 = vector.shape_cast %broadcast_in_dim3A_78 : vector<16xf32> to vector<16xf32>
    tpu.vector_store %arg6[%swap3A_79], %swap3A_82 {strides = array<i32>} : memref<640xf32, #tpu.memory_space<vmem>>, vector<16xf32>,
    %broadcast_in_dim3A_83 = arith.constant 0.000000e+00 : f32
    %broadcast_in_dim3A_84 = vector.broadcast %broadcast_in_dim3A_83 : f32 to vector<16xf32>
    %swap3A_85 = arith.constant 144 : index
    %swap3A_86 = tpu.vector_load %arg6[%swap3A_85] {strides = array<i32>} : memref<640xf32, #tpu.memory_space<vmem>>, vector<16xf32>,
    %swap3A_87 = vector.shape_cast %swap3A_86 : vector<16xf32> to vector<16xf32>
    %swap3A_88 = vector.shape_cast %broadcast_in_dim3A_84 : vector<16xf32> to vector<16xf32>
    tpu.vector_store %arg6[%swap3A_85], %swap3A_88 {strides = array<i32>} : memref<640xf32, #tpu.memory_space<vmem>>, vector<16xf32>,
    %broadcast_in_dim3A_89 = arith.constant 0.000000e+00 : f32
    %broadcast_in_dim3A_90 = vector.broadcast %broadcast_in_dim3A_89 : f32 to vector<16xf32>
    %swap3A_91 = arith.constant 160 : index
    %swap3A_92 = tpu.vector_load %arg6[%swap3A_91] {strides = array<i32>} : memref<640xf32, #tpu.memory_space<vmem>>, vector<16xf32>,
    %swap3A_93 = vector.shape_cast %swap3A_92 : vector<16xf32> to vector<16xf32>
    %swap3A_94 = vector.shape_cast %broadcast_in_dim3A_90 : vector<16xf32> to vector<16xf32>
    tpu.vector_store %arg6[%swap3A_91], %swap3A_94 {strides = array<i32>} : memref<640xf32, #tpu.memory_space<vmem>>, vector<16xf32>,
    %broadcast_in_dim3A_95 = arith.constant 0.000000e+00 : f32
    %broadcast_in_dim3A_96 = vector.broadcast %broadcast_in_dim3A_95 : f32 to vector<16xf32>
    %swap3A_97 = arith.constant 176 : index
    %swap3A_98 = tpu.vector_load %arg6[%swap3A_97] {strides = array<i32>} : memref<640xf32, #tpu.memory_space<vmem>>, vector<16xf32>,
    %swap3A_99 = vector.shape_cast %swap3A_98 : vector<16xf32> to vector<16xf32>
    %swap3A_100 = vector.shape_cast %broadcast_in_dim3A_96 : vector<16xf32> to vector<16xf32>
    tpu.vector_store %arg6[%swap3A_97], %swap3A_100 {strides = array<i32>} : memref<640xf32, #tpu.memory_space<vmem>>, vector<16xf32>,
    %broadcast_in_dim3A_101 = arith.constant 0.000000e+00 : f32
    %broadcast_in_dim3A_102 = vector.broadcast %broadcast_in_dim3A_101 : f32 to vector<16xf32>
    %swap3A_103 = arith.constant 192 : index
    %swap3A_104 = tpu.vector_load %arg6[%swap3A_103] {strides = array<i32>} : memref<640xf32, #tpu.memory_space<vmem>>, vector<16xf32>,
    %swap3A_105 = vector.shape_cast %swap3A_104 : vector<16xf32> to vector<16xf32>
    %swap3A_106 = vector.shape_cast %broadcast_in_dim3A_102 : vector<16xf32> to vector<16xf32>
    tpu.vector_store %arg6[%swap3A_103], %swap3A_106 {strides = array<i32>} : memref<640xf32, #tpu.memory_space<vmem>>, vector<16xf32>,
    %broadcast_in_dim3A_107 = arith.constant 0.000000e+00 : f32
    %broadcast_in_dim3A_108 = vector.broadcast %broadcast_in_dim3A_107 : f32 to vector<16xf32>
    %swap3A_109 = arith.constant 208 : index
    %swap3A_110 = tpu.vector_load %arg6[%swap3A_109] {strides = array<i32>} : memref<640xf32, #tpu.memory_space<vmem>>, vector<16xf32>,
    %swap3A_111 = vector.shape_cast %swap3A_110 : vector<16xf32> to vector<16xf32>
    %swap3A_112 = vector.shape_cast %broadcast_in_dim3A_108 : vector<16xf32> to vector<16xf32>
    tpu.vector_store %arg6[%swap3A_109], %swap3A_112 {strides = array<i32>} : memref<640xf32, #tpu.memory_space<vmem>>, vector<16xf32>,
    %broadcast_in_dim3A_113 = arith.constant 0.000000e+00 : f32
    %broadcast_in_dim3A_114 = vector.broadcast %broadcast_in_dim3A_113 : f32 to vector<16xf32>
    %swap3A_115 = arith.constant 224 : index
    %swap3A_116 = tpu.vector_load %arg6[%swap3A_115] {strides = array<i32>} : memref<640xf32, #tpu.memory_space<vmem>>, vector<16xf32>,
    %swap3A_117 = vector.shape_cast %swap3A_116 : vector<16xf32> to vector<16xf32>
    %swap3A_118 = vector.shape_cast %broadcast_in_dim3A_114 : vector<16xf32> to vector<16xf32>
    tpu.vector_store %arg6[%swap3A_115], %swap3A_118 {strides = array<i32>} : memref<640xf32, #tpu.memory_space<vmem>>, vector<16xf32>,
    %broadcast_in_dim3A_119 = arith.constant 0.000000e+00 : f32
    %broadcast_in_dim3A_120 = vector.broadcast %broadcast_in_dim3A_119 : f32 to vector<16xf32>
    %swap3A_121 = arith.constant 240 : index
    %swap3A_122 = tpu.vector_load %arg6[%swap3A_121] {strides = array<i32>} : memref<640xf32, #tpu.memory_space<vmem>>, vector<16xf32>,
    %swap3A_123 = vector.shape_cast %swap3A_122 : vector<16xf32> to vector<16xf32>
    %swap3A_124 = vector.shape_cast %broadcast_in_dim3A_120 : vector<16xf32> to vector<16xf32>
    tpu.vector_store %arg6[%swap3A_121], %swap3A_124 {strides = array<i32>} : memref<640xf32, #tpu.memory_space<vmem>>, vector<16xf32>,
    %broadcast_in_dim3A_125 = arith.constant 0.000000e+00 : f32
    %broadcast_in_dim3A_126 = vector.broadcast %broadcast_in_dim3A_125 : f32 to vector<16xf32>
    %swap3A_127 = arith.constant 256 : index
    %swap3A_128 = tpu.vector_load %arg6[%swap3A_127] {strides = array<i32>} : memref<640xf32, #tpu.memory_space<vmem>>, vector<16xf32>,
    %swap3A_129 = vector.shape_cast %swap3A_128 : vector<16xf32> to vector<16xf32>
    %swap3A_130 = vector.shape_cast %broadcast_in_dim3A_126 : vector<16xf32> to vector<16xf32>
    tpu.vector_store %arg6[%swap3A_127], %swap3A_130 {strides = array<i32>} : memref<640xf32, #tpu.memory_space<vmem>>, vector<16xf32>,
    %broadcast_in_dim3A_131 = arith.constant 0.000000e+00 : f32
    %broadcast_in_dim3A_132 = vector.broadcast %broadcast_in_dim3A_131 : f32 to vector<16xf32>
    %swap3A_133 = arith.constant 272 : index
    %swap3A_134 = tpu.vector_load %arg6[%swap3A_133] {strides = array<i32>} : memref<640xf32, #tpu.memory_space<vmem>>, vector<16xf32>,
    %swap3A_135 = vector.shape_cast %swap3A_134 : vector<16xf32> to vector<16xf32>
    %swap3A_136 = vector.shape_cast %broadcast_in_dim3A_132 : vector<16xf32> to vector<16xf32>
    tpu.vector_store %arg6[%swap3A_133], %swap3A_136 {strides = array<i32>} : memref<640xf32, #tpu.memory_space<vmem>>, vector<16xf32>,
    %broadcast_in_dim3A_137 = arith.constant 0.000000e+00 : f32
    %broadcast_in_dim3A_138 = vector.broadcast %broadcast_in_dim3A_137 : f32 to vector<16xf32>
    %swap3A_139 = arith.constant 288 : index
    %swap3A_140 = tpu.vector_load %arg6[%swap3A_139] {strides = array<i32>} : memref<640xf32, #tpu.memory_space<vmem>>, vector<16xf32>,
    %swap3A_141 = vector.shape_cast %swap3A_140 : vector<16xf32> to vector<16xf32>
    %swap3A_142 = vector.shape_cast %broadcast_in_dim3A_138 : vector<16xf32> to vector<16xf32>
    tpu.vector_store %arg6[%swap3A_139], %swap3A_142 {strides = array<i32>} : memref<640xf32, #tpu.memory_space<vmem>>, vector<16xf32>,
    %broadcast_in_dim3A_143 = arith.constant 0.000000e+00 : f32
    %broadcast_in_dim3A_144 = vector.broadcast %broadcast_in_dim3A_143 : f32 to vector<16xf32>
    %swap3A_145 = arith.constant 304 : index
    %swap3A_146 = tpu.vector_load %arg6[%swap3A_145] {strides = array<i32>} : memref<640xf32, #tpu.memory_space<vmem>>, vector<16xf32>,
    %swap3A_147 = vector.shape_cast %swap3A_146 : vector<16xf32> to vector<16xf32>
    %swap3A_148 = vector.shape_cast %broadcast_in_dim3A_144 : vector<16xf32> to vector<16xf32>
    tpu.vector_store %arg6[%swap3A_145], %swap3A_148 {strides = array<i32>} : memref<640xf32, #tpu.memory_space<vmem>>, vector<16xf32>,
    %broadcast_in_dim3A_149 = arith.constant 0.000000e+00 : f32
    %broadcast_in_dim3A_150 = vector.broadcast %broadcast_in_dim3A_149 : f32 to vector<16xf32>
    %swap3A_151 = arith.constant 320 : index
    %swap3A_152 = tpu.vector_load %arg6[%swap3A_151] {strides = array<i32>} : memref<640xf32, #tpu.memory_space<vmem>>, vector<16xf32>,
    %swap3A_153 = vector.shape_cast %swap3A_152 : vector<16xf32> to vector<16xf32>
    %swap3A_154 = vector.shape_cast %broadcast_in_dim3A_150 : vector<16xf32> to vector<16xf32>
    tpu.vector_store %arg6[%swap3A_151], %swap3A_154 {strides = array<i32>} : memref<640xf32, #tpu.memory_space<vmem>>, vector<16xf32>,
    %broadcast_in_dim3A_155 = arith.constant 0.000000e+00 : f32
    %broadcast_in_dim3A_156 = vector.broadcast %broadcast_in_dim3A_155 : f32 to vector<16xf32>
    %swap3A_157 = arith.constant 336 : index
    %swap3A_158 = tpu.vector_load %arg6[%swap3A_157] {strides = array<i32>} : memref<640xf32, #tpu.memory_space<vmem>>, vector<16xf32>,
    %swap3A_159 = vector.shape_cast %swap3A_158 : vector<16xf32> to vector<16xf32>
    %swap3A_160 = vector.shape_cast %broadcast_in_dim3A_156 : vector<16xf32> to vector<16xf32>
    tpu.vector_store %arg6[%swap3A_157], %swap3A_160 {strides = array<i32>} : memref<640xf32, #tpu.memory_space<vmem>>, vector<16xf32>,
    %broadcast_in_dim3A_161 = arith.constant 0.000000e+00 : f32
    %broadcast_in_dim3A_162 = vector.broadcast %broadcast_in_dim3A_161 : f32 to vector<16xf32>
    %swap3A_163 = arith.constant 352 : index
    %swap3A_164 = tpu.vector_load %arg6[%swap3A_163] {strides = array<i32>} : memref<640xf32, #tpu.memory_space<vmem>>, vector<16xf32>,
    %swap3A_165 = vector.shape_cast %swap3A_164 : vector<16xf32> to vector<16xf32>
    %swap3A_166 = vector.shape_cast %broadcast_in_dim3A_162 : vector<16xf32> to vector<16xf32>
    tpu.vector_store %arg6[%swap3A_163], %swap3A_166 {strides = array<i32>} : memref<640xf32, #tpu.memory_space<vmem>>, vector<16xf32>,
    %broadcast_in_dim3A_167 = arith.constant 0.000000e+00 : f32
    %broadcast_in_dim3A_168 = vector.broadcast %broadcast_in_dim3A_167 : f32 to vector<16xf32>
    %swap3A_169 = arith.constant 368 : index
    %swap3A_170 = tpu.vector_load %arg6[%swap3A_169] {strides = array<i32>} : memref<640xf32, #tpu.memory_space<vmem>>, vector<16xf32>,
    %swap3A_171 = vector.shape_cast %swap3A_170 : vector<16xf32> to vector<16xf32>
    %swap3A_172 = vector.shape_cast %broadcast_in_dim3A_168 : vector<16xf32> to vector<16xf32>
    tpu.vector_store %arg6[%swap3A_169], %swap3A_172 {strides = array<i32>} : memref<640xf32, #tpu.memory_space<vmem>>, vector<16xf32>,
    %broadcast_in_dim3A_173 = arith.constant 0.000000e+00 : f32
    %broadcast_in_dim3A_174 = vector.broadcast %broadcast_in_dim3A_173 : f32 to vector<16xf32>
    %swap3A_175 = arith.constant 384 : index
    %swap3A_176 = tpu.vector_load %arg6[%swap3A_175] {strides = array<i32>} : memref<640xf32, #tpu.memory_space<vmem>>, vector<16xf32>,
    %swap3A_177 = vector.shape_cast %swap3A_176 : vector<16xf32> to vector<16xf32>
    %swap3A_178 = vector.shape_cast %broadcast_in_dim3A_174 : vector<16xf32> to vector<16xf32>
    tpu.vector_store %arg6[%swap3A_175], %swap3A_178 {strides = array<i32>} : memref<640xf32, #tpu.memory_space<vmem>>, vector<16xf32>,
    %broadcast_in_dim3A_179 = arith.constant 0.000000e+00 : f32
    %broadcast_in_dim3A_180 = vector.broadcast %broadcast_in_dim3A_179 : f32 to vector<16xf32>
    %swap3A_181 = arith.constant 400 : index
    %swap3A_182 = tpu.vector_load %arg6[%swap3A_181] {strides = array<i32>} : memref<640xf32, #tpu.memory_space<vmem>>, vector<16xf32>,
    %swap3A_183 = vector.shape_cast %swap3A_182 : vector<16xf32> to vector<16xf32>
    %swap3A_184 = vector.shape_cast %broadcast_in_dim3A_180 : vector<16xf32> to vector<16xf32>
    tpu.vector_store %arg6[%swap3A_181], %swap3A_184 {strides = array<i32>} : memref<640xf32, #tpu.memory_space<vmem>>, vector<16xf32>,
    %broadcast_in_dim3A_185 = arith.constant 0.000000e+00 : f32
    %broadcast_in_dim3A_186 = vector.broadcast %broadcast_in_dim3A_185 : f32 to vector<16xf32>
    %swap3A_187 = arith.constant 416 : index
    %swap3A_188 = tpu.vector_load %arg6[%swap3A_187] {strides = array<i32>} : memref<640xf32, #tpu.memory_space<vmem>>, vector<16xf32>,
    %swap3A_189 = vector.shape_cast %swap3A_188 : vector<16xf32> to vector<16xf32>
    %swap3A_190 = vector.shape_cast %broadcast_in_dim3A_186 : vector<16xf32> to vector<16xf32>
    tpu.vector_store %arg6[%swap3A_187], %swap3A_190 {strides = array<i32>} : memref<640xf32, #tpu.memory_space<vmem>>, vector<16xf32>,
    %broadcast_in_dim3A_191 = arith.constant 0.000000e+00 : f32
    %broadcast_in_dim3A_192 = vector.broadcast %broadcast_in_dim3A_191 : f32 to vector<16xf32>
    %swap3A_193 = arith.constant 432 : index
    %swap3A_194 = tpu.vector_load %arg6[%swap3A_193] {strides = array<i32>} : memref<640xf32, #tpu.memory_space<vmem>>, vector<16xf32>,
    %swap3A_195 = vector.shape_cast %swap3A_194 : vector<16xf32> to vector<16xf32>
    %swap3A_196 = vector.shape_cast %broadcast_in_dim3A_192 : vector<16xf32> to vector<16xf32>
    tpu.vector_store %arg6[%swap3A_193], %swap3A_196 {strides = array<i32>} : memref<640xf32, #tpu.memory_space<vmem>>, vector<16xf32>,
    %broadcast_in_dim3A_197 = arith.constant 0.000000e+00 : f32
    %broadcast_in_dim3A_198 = vector.broadcast %broadcast_in_dim3A_197 : f32 to vector<16xf32>
    %swap3A_199 = arith.constant 448 : index
    %swap3A_200 = tpu.vector_load %arg6[%swap3A_199] {strides = array<i32>} : memref<640xf32, #tpu.memory_space<vmem>>, vector<16xf32>,
    %swap3A_201 = vector.shape_cast %swap3A_200 : vector<16xf32> to vector<16xf32>
    %swap3A_202 = vector.shape_cast %broadcast_in_dim3A_198 : vector<16xf32> to vector<16xf32>
    tpu.vector_store %arg6[%swap3A_199], %swap3A_202 {strides = array<i32>} : memref<640xf32, #tpu.memory_space<vmem>>, vector<16xf32>,
    %broadcast_in_dim3A_203 = arith.constant 0.000000e+00 : f32
    %broadcast_in_dim3A_204 = vector.broadcast %broadcast_in_dim3A_203 : f32 to vector<16xf32>
    %swap3A_205 = arith.constant 464 : index
    %swap3A_206 = tpu.vector_load %arg6[%swap3A_205] {strides = array<i32>} : memref<640xf32, #tpu.memory_space<vmem>>, vector<16xf32>,
    %swap3A_207 = vector.shape_cast %swap3A_206 : vector<16xf32> to vector<16xf32>
    %swap3A_208 = vector.shape_cast %broadcast_in_dim3A_204 : vector<16xf32> to vector<16xf32>
    tpu.vector_store %arg6[%swap3A_205], %swap3A_208 {strides = array<i32>} : memref<640xf32, #tpu.memory_space<vmem>>, vector<16xf32>,
    %broadcast_in_dim3A_209 = arith.constant 0.000000e+00 : f32
    %broadcast_in_dim3A_210 = vector.broadcast %broadcast_in_dim3A_209 : f32 to vector<16xf32>
    %swap3A_211 = arith.constant 480 : index
    %swap3A_212 = tpu.vector_load %arg6[%swap3A_211] {strides = array<i32>} : memref<640xf32, #tpu.memory_space<vmem>>, vector<16xf32>,
    %swap3A_213 = vector.shape_cast %swap3A_212 : vector<16xf32> to vector<16xf32>
    %swap3A_214 = vector.shape_cast %broadcast_in_dim3A_210 : vector<16xf32> to vector<16xf32>
    tpu.vector_store %arg6[%swap3A_211], %swap3A_214 {strides = array<i32>} : memref<640xf32, #tpu.memory_space<vmem>>, vector<16xf32>,
    %broadcast_in_dim3A_215 = arith.constant 0.000000e+00 : f32
    %broadcast_in_dim3A_216 = vector.broadcast %broadcast_in_dim3A_215 : f32 to vector<16xf32>
    %swap3A_217 = arith.constant 496 : index
    %swap3A_218 = tpu.vector_load %arg6[%swap3A_217] {strides = array<i32>} : memref<640xf32, #tpu.memory_space<vmem>>, vector<16xf32>,
    %swap3A_219 = vector.shape_cast %swap3A_218 : vector<16xf32> to vector<16xf32>
    %swap3A_220 = vector.shape_cast %broadcast_in_dim3A_216 : vector<16xf32> to vector<16xf32>
    tpu.vector_store %arg6[%swap3A_217], %swap3A_220 {strides = array<i32>} : memref<640xf32, #tpu.memory_space<vmem>>, vector<16xf32>,
    %broadcast_in_dim3A_221 = arith.constant 0.000000e+00 : f32
    %broadcast_in_dim3A_222 = vector.broadcast %broadcast_in_dim3A_221 : f32 to vector<16xf32>
    %swap3A_223 = arith.constant 512 : index
    %swap3A_224 = tpu.vector_load %arg6[%swap3A_223] {strides = array<i32>} : memref<640xf32, #tpu.memory_space<vmem>>, vector<16xf32>,
    %swap3A_225 = vector.shape_cast %swap3A_224 : vector<16xf32> to vector<16xf32>
    %swap3A_226 = vector.shape_cast %broadcast_in_dim3A_222 : vector<16xf32> to vector<16xf32>
    tpu.vector_store %arg6[%swap3A_223], %swap3A_226 {strides = array<i32>} : memref<640xf32, #tpu.memory_space<vmem>>, vector<16xf32>,
    %broadcast_in_dim3A_227 = arith.constant 0.000000e+00 : f32
    %broadcast_in_dim3A_228 = vector.broadcast %broadcast_in_dim3A_227 : f32 to vector<16xf32>
    %swap3A_229 = arith.constant 528 : index
    %swap3A_230 = tpu.vector_load %arg6[%swap3A_229] {strides = array<i32>} : memref<640xf32, #tpu.memory_space<vmem>>, vector<16xf32>,
    %swap3A_231 = vector.shape_cast %swap3A_230 : vector<16xf32> to vector<16xf32>
    %swap3A_232 = vector.shape_cast %broadcast_in_dim3A_228 : vector<16xf32> to vector<16xf32>
    tpu.vector_store %arg6[%swap3A_229], %swap3A_232 {strides = array<i32>} : memref<640xf32, #tpu.memory_space<vmem>>, vector<16xf32>,
    %broadcast_in_dim3A_233 = arith.constant 0.000000e+00 : f32
    %broadcast_in_dim3A_234 = vector.broadcast %broadcast_in_dim3A_233 : f32 to vector<16xf32>
    %swap3A_235 = arith.constant 544 : index
    %swap3A_236 = tpu.vector_load %arg6[%swap3A_235] {strides = array<i32>} : memref<640xf32, #tpu.memory_space<vmem>>, vector<16xf32>,
    %swap3A_237 = vector.shape_cast %swap3A_236 : vector<16xf32> to vector<16xf32>
    %swap3A_238 = vector.shape_cast %broadcast_in_dim3A_234 : vector<16xf32> to vector<16xf32>
    tpu.vector_store %arg6[%swap3A_235], %swap3A_238 {strides = array<i32>} : memref<640xf32, #tpu.memory_space<vmem>>, vector<16xf32>,
    %broadcast_in_dim3A_239 = arith.constant 0.000000e+00 : f32
    %broadcast_in_dim3A_240 = vector.broadcast %broadcast_in_dim3A_239 : f32 to vector<16xf32>
    %swap3A_241 = arith.constant 560 : index
    %swap3A_242 = tpu.vector_load %arg6[%swap3A_241] {strides = array<i32>} : memref<640xf32, #tpu.memory_space<vmem>>, vector<16xf32>,
    %swap3A_243 = vector.shape_cast %swap3A_242 : vector<16xf32> to vector<16xf32>
    %swap3A_244 = vector.shape_cast %broadcast_in_dim3A_240 : vector<16xf32> to vector<16xf32>
    tpu.vector_store %arg6[%swap3A_241], %swap3A_244 {strides = array<i32>} : memref<640xf32, #tpu.memory_space<vmem>>, vector<16xf32>,
    %broadcast_in_dim3A_245 = arith.constant 0.000000e+00 : f32
    %broadcast_in_dim3A_246 = vector.broadcast %broadcast_in_dim3A_245 : f32 to vector<16xf32>
    %swap3A_247 = arith.constant 576 : index
    %swap3A_248 = tpu.vector_load %arg6[%swap3A_247] {strides = array<i32>} : memref<640xf32, #tpu.memory_space<vmem>>, vector<16xf32>,
    %swap3A_249 = vector.shape_cast %swap3A_248 : vector<16xf32> to vector<16xf32>
    %swap3A_250 = vector.shape_cast %broadcast_in_dim3A_246 : vector<16xf32> to vector<16xf32>
    tpu.vector_store %arg6[%swap3A_247], %swap3A_250 {strides = array<i32>} : memref<640xf32, #tpu.memory_space<vmem>>, vector<16xf32>,
    %broadcast_in_dim3A_251 = arith.constant 0.000000e+00 : f32
    %broadcast_in_dim3A_252 = vector.broadcast %broadcast_in_dim3A_251 : f32 to vector<16xf32>
    %swap3A_253 = arith.constant 592 : index
    %swap3A_254 = tpu.vector_load %arg6[%swap3A_253] {strides = array<i32>} : memref<640xf32, #tpu.memory_space<vmem>>, vector<16xf32>,
    %swap3A_255 = vector.shape_cast %swap3A_254 : vector<16xf32> to vector<16xf32>
    %swap3A_256 = vector.shape_cast %broadcast_in_dim3A_252 : vector<16xf32> to vector<16xf32>
    tpu.vector_store %arg6[%swap3A_253], %swap3A_256 {strides = array<i32>} : memref<640xf32, #tpu.memory_space<vmem>>, vector<16xf32>,
    %broadcast_in_dim3A_257 = arith.constant 0.000000e+00 : f32
    %broadcast_in_dim3A_258 = vector.broadcast %broadcast_in_dim3A_257 : f32 to vector<16xf32>
    %swap3A_259 = arith.constant 608 : index
    %swap3A_260 = tpu.vector_load %arg6[%swap3A_259] {strides = array<i32>} : memref<640xf32, #tpu.memory_space<vmem>>, vector<16xf32>,
    %swap3A_261 = vector.shape_cast %swap3A_260 : vector<16xf32> to vector<16xf32>
    %swap3A_262 = vector.shape_cast %broadcast_in_dim3A_258 : vector<16xf32> to vector<16xf32>
    tpu.vector_store %arg6[%swap3A_259], %swap3A_262 {strides = array<i32>} : memref<640xf32, #tpu.memory_space<vmem>>, vector<16xf32>,
    %broadcast_in_dim3A_263 = arith.constant 0.000000e+00 : f32
    %broadcast_in_dim3A_264 = vector.broadcast %broadcast_in_dim3A_263 : f32 to vector<16xf32>
    %swap3A_265 = arith.constant 624 : index
    %swap3A_266 = tpu.vector_load %arg6[%swap3A_265] {strides = array<i32>} : memref<640xf32, #tpu.memory_space<vmem>>, vector<16xf32>,
    %swap3A_267 = vector.shape_cast %swap3A_266 : vector<16xf32> to vector<16xf32>
    %swap3A_268 = vector.shape_cast %broadcast_in_dim3A_264 : vector<16xf32> to vector<16xf32>
    tpu.vector_store %arg6[%swap3A_265], %swap3A_268 {strides = array<i32>} : memref<640xf32, #tpu.memory_space<vmem>>, vector<16xf32>,
    %mul3A_269 = arith.constant 640 : i32
    %mul3A_270 = arith.muli %arg1, %mul3A_269 : i32
    "tpu.region"() ({
      %run_scoped3A = tpu.sem_alloc : memref<!tpu.dma_semaphore, #tpu.memory_space<semaphore_mem>>
      %dma_start3A = tpu.memref_slice %arg7[%mul3A_270] : memref<10240xf32, #tpu.memory_space<vmem_shared>> -> memref<640xf32, #tpu.memory_space<vmem_shared>>
      %dma_start3A_281 = tpu.memref_slice %arg7[%mul3A_270] : memref<10240xf32, #tpu.memory_space<vmem_shared>> -> memref<640xf32, #tpu.memory_space<vmem_shared>>
      tpu.enqueue_dma source(%arg6 : memref<640xf32, #tpu.memory_space<vmem>>) target(%dma_start3A_281 : memref<640xf32, #tpu.memory_space<vmem_shared>>) target_semaphore(%run_scoped3A : memref<!tpu.dma_semaphore, #tpu.memory_space<semaphore_mem>>)
      %dma_wait3A = tpu.memref_slice %arg7[%mul3A_270] : memref<10240xf32, #tpu.memory_space<vmem_shared>> -> memref<640xf32, #tpu.memory_space<vmem_shared>>
      %dma_wait3A_282 = tpu.memref_slice %arg7[%mul3A_270] : memref<10240xf32, #tpu.memory_space<vmem_shared>> -> memref<640xf32, #tpu.memory_space<vmem_shared>>
      tpu.wait_dma2 semaphore(%run_scoped3A : memref<!tpu.dma_semaphore, #tpu.memory_space<semaphore_mem>>) src(%arg6 : memref<640xf32, #tpu.memory_space<vmem>>) dst(%dma_wait3A_282 : memref<640xf32, #tpu.memory_space<vmem_shared>>)
      tpu.yield
    }) : () -> ()
    %barrier3A = arith.constant 0 : index
    tpu.barrier barrier_id(%barrier3A)
    %scan3A = arith.constant 0 : i32
    %scan3A_271 = arith.constant 0 : i32
    %scan3A_272 = arith.constant 125 : i32
    %scan3A_273 = arith.addi %scan3A_271, %scan3A_272 : i32
    %scan3A_274 = arith.constant 1 : i32
    scf.for %scan3A_281 = %scan3A_271 to %scan3A_273 step %scan3A_274  : i32 {
      %mul3A_282 = arith.constant 10000 : i32
      %mul3A_283 = arith.muli %add3A, %mul3A_282 : i32
      %mul3A_284 = arith.constant 80 : i32
      %mul3A_285 = arith.muli %scan3A_281, %mul3A_284 : i32
      %add3A_286 = arith.addi %mul3A_283, %mul3A_285 : i32
      "tpu.region"() ({
        %run_scoped3A = tpu.sem_alloc : memref<!tpu.dma_semaphore, #tpu.memory_space<semaphore_mem>>
        %dma_start3A = tpu.memref_slice %arg2[%add3A_286] : memref<320000xi32, #tpu.memory_space<hbm>> -> memref<80xi32, #tpu.memory_space<hbm>>
        %dma_start3A_287 = tpu.memref_slice %arg2[%add3A_286] : memref<320000xi32, #tpu.memory_space<hbm>> -> memref<80xi32, #tpu.memory_space<hbm>>
        tpu.enqueue_dma source(%dma_start3A_287 : memref<80xi32, #tpu.memory_space<hbm>>) target(%arg4 : memref<80xi32, #tpu.memory_space<vmem>>) target_semaphore(%run_scoped3A : memref<!tpu.dma_semaphore, #tpu.memory_space<semaphore_mem>>)
        %dma_wait3A = tpu.memref_slice %arg2[%add3A_286] : memref<320000xi32, #tpu.memory_space<hbm>> -> memref<80xi32, #tpu.memory_space<hbm>>
        %dma_wait3A_288 = tpu.memref_slice %arg2[%add3A_286] : memref<320000xi32, #tpu.memory_space<hbm>> -> memref<80xi32, #tpu.memory_space<hbm>>
        tpu.wait_dma2 semaphore(%run_scoped3A : memref<!tpu.dma_semaphore, #tpu.memory_space<semaphore_mem>>) src(%dma_wait3A_288 : memref<80xi32, #tpu.memory_space<hbm>>) dst(%arg4 : memref<80xi32, #tpu.memory_space<vmem>>)
        tpu.yield
      }) : () -> ()
      "tpu.region"() ({
        %run_scoped3A = tpu.sem_alloc : memref<!tpu.dma_semaphore, #tpu.memory_space<semaphore_mem>>
        %dma_start3A = arith.constant 0 : i32
        %dma_start3A_287 = tpu.memref_slice %arg7[%dma_start3A] : memref<10240xf32, #tpu.memory_space<vmem_shared>> -> memref<10240xf32, #tpu.memory_space<vmem_shared>>
        tpu.enqueue_indirect_dma source(%arg5 : memref<80xf32, #tpu.memory_space<vmem>>) target(%dma_start3A_287 : memref<10240xf32, #tpu.memory_space<vmem_shared>>) offsets(%arg4 : memref<80xi32, #tpu.memory_space<vmem>>) semaphore(%run_scoped3A : memref<!tpu.dma_semaphore, #tpu.memory_space<semaphore_mem>>) {add = true}
        %dma_wait3A = arith.constant 0 : i32
        %dma_wait3A_288 = tpu.memref_slice %arg7[%dma_wait3A] : memref<10240xf32, #tpu.memory_space<vmem_shared>> -> memref<10240xf32, #tpu.memory_space<vmem_shared>>
        tpu.wait_indirect_dma semaphore(%run_scoped3A : memref<!tpu.dma_semaphore, #tpu.memory_space<semaphore_mem>>) src(%arg5 : memref<80xf32, #tpu.memory_space<vmem>>) dst(%dma_wait3A_288 : memref<10240xf32, #tpu.memory_space<vmem_shared>>)
        tpu.yield
      }) : () -> ()
    }
    %scan3A_275 = arith.constant 125 : i32
    %barrier3A_276 = arith.constant 0 : index
    tpu.barrier barrier_id(%barrier3A_276)
    %mul3A_277 = arith.constant 640 : i32
    %mul3A_278 = arith.muli %arg1, %mul3A_277 : i32
    %mul3A_279 = arith.constant 640 : i32
    %mul3A_280 = arith.muli %arg1, %mul3A_279 : i32
    "tpu.region"() ({
      %run_scoped3A = tpu.sem_alloc : memref<!tpu.dma_semaphore, #tpu.memory_space<semaphore_mem>>
      %dma_start3A = tpu.memref_slice %arg3[%arg0, %mul3A_280] : memref<2x10240xf32, #tpu.memory_space<hbm>> -> memref<1x640xf32, #tpu.memory_space<hbm>>
      %dma_start3A_281 = tpu.memref_squeeze %dma_start3A : memref<1x640xf32, #tpu.memory_space<hbm>> -> memref<640xf32, #tpu.memory_space<hbm>>
      %dma_start3A_282 = tpu.memref_slice %arg7[%mul3A_278] : memref<10240xf32, #tpu.memory_space<vmem_shared>> -> memref<640xf32, #tpu.memory_space<vmem_shared>>
      tpu.enqueue_dma source(%dma_start3A_282 : memref<640xf32, #tpu.memory_space<vmem_shared>>) target(%dma_start3A_281 : memref<640xf32, #tpu.memory_space<hbm>>) target_semaphore(%run_scoped3A : memref<!tpu.dma_semaphore, #tpu.memory_space<semaphore_mem>>)
      %dma_wait3A = tpu.memref_slice %arg3[%arg0, %mul3A_280] : memref<2x10240xf32, #tpu.memory_space<hbm>> -> memref<1x640xf32, #tpu.memory_space<hbm>>
      %dma_wait3A_283 = tpu.memref_squeeze %dma_wait3A : memref<1x640xf32, #tpu.memory_space<hbm>> -> memref<640xf32, #tpu.memory_space<hbm>>
      %dma_wait3A_284 = tpu.memref_slice %arg7[%mul3A_278] : memref<10240xf32, #tpu.memory_space<vmem_shared>> -> memref<640xf32, #tpu.memory_space<vmem_shared>>
      tpu.wait_dma2 semaphore(%run_scoped3A : memref<!tpu.dma_semaphore, #tpu.memory_space<semaphore_mem>>) src(%dma_wait3A_284 : memref<640xf32, #tpu.memory_space<vmem_shared>>) dst(%dma_wait3A_283 : memref<640xf32, #tpu.memory_space<hbm>>)
      tpu.yield
    }) : () -> ()
    return
  }
}

#map = affine_map<(d0, d1) -> (0, 0)>
#map1 = affine_map<(d0, d1) -> (0)>
#map2 = affine_map<(d0, d1) -> (0, 0, 0)>
module attributes {stable_mosaic.version = 14 : i64} {
  func.func @_sc_aggregate(%arg0: i32, %arg1: i32, %arg2: memref<10000x128xf32, #tpu.memory_space<hbm>>, %arg3: memref<320000xi32, #tpu.memory_space<hbm>>, %arg4: memref<320000xi32, #tpu.memory_space<hbm>>, %arg5: memref<10240x128xf32, #tpu.memory_space<hbm>>, %arg6: memref<2x10240x128xf32, #tpu.memory_space<hbm>>, %arg7: memref<80xi32, #tpu.memory_space<vmem>>, %arg8: memref<80xi32, #tpu.memory_space<vmem>>, %arg9: memref<80x128xf32, #tpu.memory_space<vmem>>, %arg10: memref<10240x128xf32, #tpu.memory_space<vmem_shared>>, %arg11: memref<!tpu.dma_semaphore, #tpu.memory_space<semaphore_mem>>) attributes {dimension_semantics = [#tpu.dimension_semantics<core_parallel>, #tpu.dimension_semantics<subcore_parallel>], iteration_bounds = array<i64: 2, 16>, scalar_prefetch = 0 : i64, scratch_operands = 5 : i64, tpu.core_type = #tpu.core_type<sc_vector_subcore>, window_params = [{transform_indices = #map}, {transform_indices = #map1}, {transform_indices = #map1}, {transform_indices = #map}, {transform_indices = #map2}]} {
    %mul3A = arith.constant 16 : i32
    %mul3A_0 = arith.muli %arg0, %mul3A : i32
    %add3A = arith.addi %mul3A_0, %arg1 : i32
    %mul3A_1 = arith.constant 640 : i32
    %mul3A_2 = arith.muli %arg1, %mul3A_1 : i32
    %mul3A_3 = arith.constant 640 : i32
    %mul3A_4 = arith.muli %arg1, %mul3A_3 : i32
    "tpu.region"() ({
      %run_scoped3A = tpu.sem_alloc : memref<!tpu.dma_semaphore, #tpu.memory_space<semaphore_mem>>
      %dma_start3A = arith.constant 0 : i32
      %dma_start3A_15 = tpu.memref_slice %arg10[%mul3A_4, %dma_start3A] : memref<10240x128xf32, #tpu.memory_space<vmem_shared>> -> memref<640x128xf32, #tpu.memory_space<vmem_shared>>
      %dma_start3A_16 = arith.constant 0 : i32
      %dma_start3A_17 = tpu.memref_slice %arg5[%mul3A_2, %dma_start3A_16] : memref<10240x128xf32, #tpu.memory_space<hbm>> -> memref<640x128xf32, #tpu.memory_space<hbm>>
      tpu.enqueue_dma source(%dma_start3A_17 : memref<640x128xf32, #tpu.memory_space<hbm>>) target(%dma_start3A_15 : memref<640x128xf32, #tpu.memory_space<vmem_shared>>) target_semaphore(%run_scoped3A : memref<!tpu.dma_semaphore, #tpu.memory_space<semaphore_mem>>)
      %dma_wait3A = arith.constant 0 : i32
      %dma_wait3A_18 = tpu.memref_slice %arg10[%mul3A_4, %dma_wait3A] : memref<10240x128xf32, #tpu.memory_space<vmem_shared>> -> memref<640x128xf32, #tpu.memory_space<vmem_shared>>
      %dma_wait3A_19 = arith.constant 0 : i32
      %dma_wait3A_20 = tpu.memref_slice %arg5[%mul3A_2, %dma_wait3A_19] : memref<10240x128xf32, #tpu.memory_space<hbm>> -> memref<640x128xf32, #tpu.memory_space<hbm>>
      tpu.wait_dma2 semaphore(%run_scoped3A : memref<!tpu.dma_semaphore, #tpu.memory_space<semaphore_mem>>) src(%dma_wait3A_20 : memref<640x128xf32, #tpu.memory_space<hbm>>) dst(%dma_wait3A_18 : memref<640x128xf32, #tpu.memory_space<vmem_shared>>)
      tpu.yield
    }) : () -> ()
    %barrier3A = arith.constant 0 : index
    tpu.barrier barrier_id(%barrier3A)
    %scan3A = arith.constant 0 : i32
    %scan3A_5 = arith.constant 0 : i32
    %scan3A_6 = arith.constant 125 : i32
    %scan3A_7 = arith.addi %scan3A_5, %scan3A_6 : i32
    %scan3A_8 = arith.constant 1 : i32
    scf.for %scan3A_15 = %scan3A_5 to %scan3A_7 step %scan3A_8  : i32 {
      %mul3A_16 = arith.constant 10000 : i32
      %mul3A_17 = arith.muli %add3A, %mul3A_16 : i32
      %mul3A_18 = arith.constant 80 : i32
      %mul3A_19 = arith.muli %scan3A_15, %mul3A_18 : i32
      %add3A_20 = arith.addi %mul3A_17, %mul3A_19 : i32
      "tpu.region"() ({
        %run_scoped3A = tpu.sem_alloc : memref<!tpu.dma_semaphore, #tpu.memory_space<semaphore_mem>>
        %dma_start3A_25 = tpu.memref_slice %arg3[%add3A_20] : memref<320000xi32, #tpu.memory_space<hbm>> -> memref<80xi32, #tpu.memory_space<hbm>>
        %dma_start3A_26 = tpu.memref_slice %arg3[%add3A_20] : memref<320000xi32, #tpu.memory_space<hbm>> -> memref<80xi32, #tpu.memory_space<hbm>>
        tpu.enqueue_dma source(%dma_start3A_26 : memref<80xi32, #tpu.memory_space<hbm>>) target(%arg7 : memref<80xi32, #tpu.memory_space<vmem>>) target_semaphore(%run_scoped3A : memref<!tpu.dma_semaphore, #tpu.memory_space<semaphore_mem>>)
        %dma_wait3A_27 = tpu.memref_slice %arg3[%add3A_20] : memref<320000xi32, #tpu.memory_space<hbm>> -> memref<80xi32, #tpu.memory_space<hbm>>
        %dma_wait3A_28 = tpu.memref_slice %arg3[%add3A_20] : memref<320000xi32, #tpu.memory_space<hbm>> -> memref<80xi32, #tpu.memory_space<hbm>>
        tpu.wait_dma2 semaphore(%run_scoped3A : memref<!tpu.dma_semaphore, #tpu.memory_space<semaphore_mem>>) src(%dma_wait3A_28 : memref<80xi32, #tpu.memory_space<hbm>>) dst(%arg7 : memref<80xi32, #tpu.memory_space<vmem>>)
        tpu.yield
      }) : () -> ()
      "tpu.region"() ({
        %run_scoped3A = tpu.sem_alloc : memref<!tpu.dma_semaphore, #tpu.memory_space<semaphore_mem>>
        %dma_start3A_25 = tpu.memref_slice %arg4[%add3A_20] : memref<320000xi32, #tpu.memory_space<hbm>> -> memref<80xi32, #tpu.memory_space<hbm>>
        %dma_start3A_26 = tpu.memref_slice %arg4[%add3A_20] : memref<320000xi32, #tpu.memory_space<hbm>> -> memref<80xi32, #tpu.memory_space<hbm>>
        tpu.enqueue_dma source(%dma_start3A_26 : memref<80xi32, #tpu.memory_space<hbm>>) target(%arg8 : memref<80xi32, #tpu.memory_space<vmem>>) target_semaphore(%run_scoped3A : memref<!tpu.dma_semaphore, #tpu.memory_space<semaphore_mem>>)
        %dma_wait3A_27 = tpu.memref_slice %arg4[%add3A_20] : memref<320000xi32, #tpu.memory_space<hbm>> -> memref<80xi32, #tpu.memory_space<hbm>>
        %dma_wait3A_28 = tpu.memref_slice %arg4[%add3A_20] : memref<320000xi32, #tpu.memory_space<hbm>> -> memref<80xi32, #tpu.memory_space<hbm>>
        tpu.wait_dma2 semaphore(%run_scoped3A : memref<!tpu.dma_semaphore, #tpu.memory_space<semaphore_mem>>) src(%dma_wait3A_28 : memref<80xi32, #tpu.memory_space<hbm>>) dst(%arg8 : memref<80xi32, #tpu.memory_space<vmem>>)
        tpu.yield
      }) : () -> ()
      %dma_start3A = arith.constant 0 : i32
      %dma_start3A_21 = arith.constant 0 : i32
      %dma_start3A_22 = tpu.memref_slice %arg2[%dma_start3A, %dma_start3A_21] : memref<10000x128xf32, #tpu.memory_space<hbm>> -> memref<10000x128xf32, #tpu.memory_space<hbm>>
      tpu.enqueue_indirect_dma source(%dma_start3A_22 : memref<10000x128xf32, #tpu.memory_space<hbm>>) target(%arg9 : memref<80x128xf32, #tpu.memory_space<vmem>>) offsets(%arg7 : memref<80xi32, #tpu.memory_space<vmem>>) semaphore(%arg11 : memref<!tpu.dma_semaphore, #tpu.memory_space<semaphore_mem>>)
      %dma_wait3A = arith.constant 0 : i32
      %dma_wait3A_23 = arith.constant 0 : i32
      %dma_wait3A_24 = tpu.memref_slice %arg2[%dma_wait3A, %dma_wait3A_23] : memref<10000x128xf32, #tpu.memory_space<hbm>> -> memref<10000x128xf32, #tpu.memory_space<hbm>>
      tpu.wait_indirect_dma semaphore(%arg11 : memref<!tpu.dma_semaphore, #tpu.memory_space<semaphore_mem>>) src(%dma_wait3A_24 : memref<10000x128xf32, #tpu.memory_space<hbm>>) dst(%arg9 : memref<80x128xf32, #tpu.memory_space<vmem>>)
      "tpu.region"() ({
        %run_scoped3A = tpu.sem_alloc : memref<!tpu.dma_semaphore, #tpu.memory_space<semaphore_mem>>
        %dma_start3A_25 = arith.constant 0 : i32
        %dma_start3A_26 = arith.constant 0 : i32
        %dma_start3A_27 = tpu.memref_slice %arg10[%dma_start3A_25, %dma_start3A_26] : memref<10240x128xf32, #tpu.memory_space<vmem_shared>> -> memref<10240x128xf32, #tpu.memory_space<vmem_shared>>
        tpu.enqueue_indirect_dma source(%arg9 : memref<80x128xf32, #tpu.memory_space<vmem>>) target(%dma_start3A_27 : memref<10240x128xf32, #tpu.memory_space<vmem_shared>>) offsets(%arg8 : memref<80xi32, #tpu.memory_space<vmem>>) semaphore(%run_scoped3A : memref<!tpu.dma_semaphore, #tpu.memory_space<semaphore_mem>>) {add = true}
        %dma_wait3A_28 = arith.constant 0 : i32
        %dma_wait3A_29 = arith.constant 0 : i32
        %dma_wait3A_30 = tpu.memref_slice %arg10[%dma_wait3A_28, %dma_wait3A_29] : memref<10240x128xf32, #tpu.memory_space<vmem_shared>> -> memref<10240x128xf32, #tpu.memory_space<vmem_shared>>
        tpu.wait_indirect_dma semaphore(%run_scoped3A : memref<!tpu.dma_semaphore, #tpu.memory_space<semaphore_mem>>) src(%arg9 : memref<80x128xf32, #tpu.memory_space<vmem>>) dst(%dma_wait3A_30 : memref<10240x128xf32, #tpu.memory_space<vmem_shared>>)
        tpu.yield
      }) : () -> ()
    }
    %scan3A_9 = arith.constant 125 : i32
    %barrier3A_10 = arith.constant 0 : index
    tpu.barrier barrier_id(%barrier3A_10)
    %mul3A_11 = arith.constant 640 : i32
    %mul3A_12 = arith.muli %arg1, %mul3A_11 : i32
    %mul3A_13 = arith.constant 640 : i32
    %mul3A_14 = arith.muli %arg1, %mul3A_13 : i32
    "tpu.region"() ({
      %run_scoped3A = tpu.sem_alloc : memref<!tpu.dma_semaphore, #tpu.memory_space<semaphore_mem>>
      %dma_start3A = arith.constant 0 : i32
      %dma_start3A_15 = tpu.memref_slice %arg6[%arg0, %mul3A_14, %dma_start3A] : memref<2x10240x128xf32, #tpu.memory_space<hbm>> -> memref<1x640x128xf32, #tpu.memory_space<hbm>>
      %dma_start3A_16 = tpu.memref_squeeze %dma_start3A_15 : memref<1x640x128xf32, #tpu.memory_space<hbm>> -> memref<640x128xf32, #tpu.memory_space<hbm>>
      %dma_start3A_17 = arith.constant 0 : i32
      %dma_start3A_18 = tpu.memref_slice %arg10[%mul3A_12, %dma_start3A_17] : memref<10240x128xf32, #tpu.memory_space<vmem_shared>> -> memref<640x128xf32, #tpu.memory_space<vmem_shared>>
      tpu.enqueue_dma source(%dma_start3A_18 : memref<640x128xf32, #tpu.memory_space<vmem_shared>>) target(%dma_start3A_16 : memref<640x128xf32, #tpu.memory_space<hbm>>) target_semaphore(%run_scoped3A : memref<!tpu.dma_semaphore, #tpu.memory_space<semaphore_mem>>)
      %dma_wait3A = arith.constant 0 : i32
      %dma_wait3A_19 = tpu.memref_slice %arg6[%arg0, %mul3A_14, %dma_wait3A] : memref<2x10240x128xf32, #tpu.memory_space<hbm>> -> memref<1x640x128xf32, #tpu.memory_space<hbm>>
      %dma_wait3A_20 = tpu.memref_squeeze %dma_wait3A_19 : memref<1x640x128xf32, #tpu.memory_space<hbm>> -> memref<640x128xf32, #tpu.memory_space<hbm>>
      %dma_wait3A_21 = arith.constant 0 : i32
      %dma_wait3A_22 = tpu.memref_slice %arg10[%mul3A_12, %dma_wait3A_21] : memref<10240x128xf32, #tpu.memory_space<vmem_shared>> -> memref<640x128xf32, #tpu.memory_space<vmem_shared>>
      tpu.wait_dma2 semaphore(%run_scoped3A : memref<!tpu.dma_semaphore, #tpu.memory_space<semaphore_mem>>) src(%dma_wait3A_22 : memref<640x128xf32, #tpu.memory_space<vmem_shared>>) dst(%dma_wait3A_20 : memref<640x128xf32, #tpu.memory_space<hbm>>)
      tpu.yield
    }) : () -> ()
    return
  }
}

#map = affine_map<(d0, d1) -> (0, 0)>
#map1 = affine_map<(d0, d1) -> (0)>
#map2 = affine_map<(d0, d1) -> (0, 0, 0)>
module attributes {stable_mosaic.version = 14 : i64} {
  func.func @_sc_aggregate(%arg0: i32, %arg1: i32, %arg2: memref<10000x128xf32, #tpu.memory_space<hbm>>, %arg3: memref<320000xi32, #tpu.memory_space<hbm>>, %arg4: memref<320000xi32, #tpu.memory_space<hbm>>, %arg5: memref<10240x128xf32, #tpu.memory_space<hbm>>, %arg6: memref<2x10240x128xf32, #tpu.memory_space<hbm>>, %arg7: memref<80xi32, #tpu.memory_space<vmem>>, %arg8: memref<80xi32, #tpu.memory_space<vmem>>, %arg9: memref<80x128xf32, #tpu.memory_space<vmem>>, %arg10: memref<10240x128xf32, #tpu.memory_space<vmem_shared>>, %arg11: memref<!tpu.dma_semaphore, #tpu.memory_space<semaphore_mem>>) attributes {dimension_semantics = [#tpu.dimension_semantics<core_parallel>, #tpu.dimension_semantics<subcore_parallel>], iteration_bounds = array<i64: 2, 16>, scalar_prefetch = 0 : i64, scratch_operands = 5 : i64, tpu.core_type = #tpu.core_type<sc_vector_subcore>, window_params = [{transform_indices = #map}, {transform_indices = #map1}, {transform_indices = #map1}, {transform_indices = #map}, {transform_indices = #map2}]} {
    %mul3A = arith.constant 16 : i32
    %mul3A_0 = arith.muli %arg0, %mul3A : i32
    %add3A = arith.addi %mul3A_0, %arg1 : i32
    %mul3A_1 = arith.constant 640 : i32
    %mul3A_2 = arith.muli %arg1, %mul3A_1 : i32
    %mul3A_3 = arith.constant 640 : i32
    %mul3A_4 = arith.muli %arg1, %mul3A_3 : i32
    "tpu.region"() ({
      %run_scoped3A = tpu.sem_alloc : memref<!tpu.dma_semaphore, #tpu.memory_space<semaphore_mem>>
      %dma_start3A = arith.constant 0 : i32
      %dma_start3A_15 = tpu.memref_slice %arg10[%mul3A_4, %dma_start3A] : memref<10240x128xf32, #tpu.memory_space<vmem_shared>> -> memref<640x128xf32, #tpu.memory_space<vmem_shared>>
      %dma_start3A_16 = arith.constant 0 : i32
      %dma_start3A_17 = tpu.memref_slice %arg5[%mul3A_2, %dma_start3A_16] : memref<10240x128xf32, #tpu.memory_space<hbm>> -> memref<640x128xf32, #tpu.memory_space<hbm>>
      tpu.enqueue_dma source(%dma_start3A_17 : memref<640x128xf32, #tpu.memory_space<hbm>>) target(%dma_start3A_15 : memref<640x128xf32, #tpu.memory_space<vmem_shared>>) target_semaphore(%run_scoped3A : memref<!tpu.dma_semaphore, #tpu.memory_space<semaphore_mem>>)
      %dma_wait3A = arith.constant 0 : i32
      %dma_wait3A_18 = tpu.memref_slice %arg10[%mul3A_4, %dma_wait3A] : memref<10240x128xf32, #tpu.memory_space<vmem_shared>> -> memref<640x128xf32, #tpu.memory_space<vmem_shared>>
      %dma_wait3A_19 = arith.constant 0 : i32
      %dma_wait3A_20 = tpu.memref_slice %arg5[%mul3A_2, %dma_wait3A_19] : memref<10240x128xf32, #tpu.memory_space<hbm>> -> memref<640x128xf32, #tpu.memory_space<hbm>>
      tpu.wait_dma2 semaphore(%run_scoped3A : memref<!tpu.dma_semaphore, #tpu.memory_space<semaphore_mem>>) src(%dma_wait3A_20 : memref<640x128xf32, #tpu.memory_space<hbm>>) dst(%dma_wait3A_18 : memref<640x128xf32, #tpu.memory_space<vmem_shared>>)
      tpu.yield
    }) : () -> ()
    %barrier3A = arith.constant 0 : index
    tpu.barrier barrier_id(%barrier3A)
    %scan3A = arith.constant 0 : i32
    %scan3A_5 = arith.constant 0 : i32
    %scan3A_6 = arith.constant 125 : i32
    %scan3A_7 = arith.addi %scan3A_5, %scan3A_6 : i32
    %scan3A_8 = arith.constant 1 : i32
    scf.for %scan3A_15 = %scan3A_5 to %scan3A_7 step %scan3A_8  : i32 {
      %mul3A_16 = arith.constant 10000 : i32
      %mul3A_17 = arith.muli %add3A, %mul3A_16 : i32
      %mul3A_18 = arith.constant 80 : i32
      %mul3A_19 = arith.muli %scan3A_15, %mul3A_18 : i32
      %add3A_20 = arith.addi %mul3A_17, %mul3A_19 : i32
      "tpu.region"() ({
        %run_scoped3A = tpu.sem_alloc : memref<!tpu.dma_semaphore, #tpu.memory_space<semaphore_mem>>
        %dma_start3A_25 = tpu.memref_slice %arg3[%add3A_20] : memref<320000xi32, #tpu.memory_space<hbm>> -> memref<80xi32, #tpu.memory_space<hbm>>
        %dma_start3A_26 = tpu.memref_slice %arg3[%add3A_20] : memref<320000xi32, #tpu.memory_space<hbm>> -> memref<80xi32, #tpu.memory_space<hbm>>
        tpu.enqueue_dma source(%dma_start3A_26 : memref<80xi32, #tpu.memory_space<hbm>>) target(%arg7 : memref<80xi32, #tpu.memory_space<vmem>>) target_semaphore(%run_scoped3A : memref<!tpu.dma_semaphore, #tpu.memory_space<semaphore_mem>>)
        %dma_wait3A_27 = tpu.memref_slice %arg3[%add3A_20] : memref<320000xi32, #tpu.memory_space<hbm>> -> memref<80xi32, #tpu.memory_space<hbm>>
        %dma_wait3A_28 = tpu.memref_slice %arg3[%add3A_20] : memref<320000xi32, #tpu.memory_space<hbm>> -> memref<80xi32, #tpu.memory_space<hbm>>
        tpu.wait_dma2 semaphore(%run_scoped3A : memref<!tpu.dma_semaphore, #tpu.memory_space<semaphore_mem>>) src(%dma_wait3A_28 : memref<80xi32, #tpu.memory_space<hbm>>) dst(%arg7 : memref<80xi32, #tpu.memory_space<vmem>>)
        tpu.yield
      }) : () -> ()
      "tpu.region"() ({
        %run_scoped3A = tpu.sem_alloc : memref<!tpu.dma_semaphore, #tpu.memory_space<semaphore_mem>>
        %dma_start3A_25 = tpu.memref_slice %arg4[%add3A_20] : memref<320000xi32, #tpu.memory_space<hbm>> -> memref<80xi32, #tpu.memory_space<hbm>>
        %dma_start3A_26 = tpu.memref_slice %arg4[%add3A_20] : memref<320000xi32, #tpu.memory_space<hbm>> -> memref<80xi32, #tpu.memory_space<hbm>>
        tpu.enqueue_dma source(%dma_start3A_26 : memref<80xi32, #tpu.memory_space<hbm>>) target(%arg8 : memref<80xi32, #tpu.memory_space<vmem>>) target_semaphore(%run_scoped3A : memref<!tpu.dma_semaphore, #tpu.memory_space<semaphore_mem>>)
        %dma_wait3A_27 = tpu.memref_slice %arg4[%add3A_20] : memref<320000xi32, #tpu.memory_space<hbm>> -> memref<80xi32, #tpu.memory_space<hbm>>
        %dma_wait3A_28 = tpu.memref_slice %arg4[%add3A_20] : memref<320000xi32, #tpu.memory_space<hbm>> -> memref<80xi32, #tpu.memory_space<hbm>>
        tpu.wait_dma2 semaphore(%run_scoped3A : memref<!tpu.dma_semaphore, #tpu.memory_space<semaphore_mem>>) src(%dma_wait3A_28 : memref<80xi32, #tpu.memory_space<hbm>>) dst(%arg8 : memref<80xi32, #tpu.memory_space<vmem>>)
        tpu.yield
      }) : () -> ()
      %dma_start3A = arith.constant 0 : i32
      %dma_start3A_21 = arith.constant 0 : i32
      %dma_start3A_22 = tpu.memref_slice %arg2[%dma_start3A, %dma_start3A_21] : memref<10000x128xf32, #tpu.memory_space<hbm>> -> memref<10000x128xf32, #tpu.memory_space<hbm>>
      tpu.enqueue_indirect_dma source(%dma_start3A_22 : memref<10000x128xf32, #tpu.memory_space<hbm>>) target(%arg9 : memref<80x128xf32, #tpu.memory_space<vmem>>) offsets(%arg7 : memref<80xi32, #tpu.memory_space<vmem>>) semaphore(%arg11 : memref<!tpu.dma_semaphore, #tpu.memory_space<semaphore_mem>>)
      %dma_wait3A = arith.constant 0 : i32
      %dma_wait3A_23 = arith.constant 0 : i32
      %dma_wait3A_24 = tpu.memref_slice %arg2[%dma_wait3A, %dma_wait3A_23] : memref<10000x128xf32, #tpu.memory_space<hbm>> -> memref<10000x128xf32, #tpu.memory_space<hbm>>
      tpu.wait_indirect_dma semaphore(%arg11 : memref<!tpu.dma_semaphore, #tpu.memory_space<semaphore_mem>>) src(%dma_wait3A_24 : memref<10000x128xf32, #tpu.memory_space<hbm>>) dst(%arg9 : memref<80x128xf32, #tpu.memory_space<vmem>>)
      "tpu.region"() ({
        %run_scoped3A = tpu.sem_alloc : memref<!tpu.dma_semaphore, #tpu.memory_space<semaphore_mem>>
        %dma_start3A_25 = arith.constant 0 : i32
        %dma_start3A_26 = arith.constant 0 : i32
        %dma_start3A_27 = tpu.memref_slice %arg10[%dma_start3A_25, %dma_start3A_26] : memref<10240x128xf32, #tpu.memory_space<vmem_shared>> -> memref<10240x128xf32, #tpu.memory_space<vmem_shared>>
        tpu.enqueue_indirect_dma source(%arg9 : memref<80x128xf32, #tpu.memory_space<vmem>>) target(%dma_start3A_27 : memref<10240x128xf32, #tpu.memory_space<vmem_shared>>) offsets(%arg8 : memref<80xi32, #tpu.memory_space<vmem>>) semaphore(%run_scoped3A : memref<!tpu.dma_semaphore, #tpu.memory_space<semaphore_mem>>) {add = true}
        %dma_wait3A_28 = arith.constant 0 : i32
        %dma_wait3A_29 = arith.constant 0 : i32
        %dma_wait3A_30 = tpu.memref_slice %arg10[%dma_wait3A_28, %dma_wait3A_29] : memref<10240x128xf32, #tpu.memory_space<vmem_shared>> -> memref<10240x128xf32, #tpu.memory_space<vmem_shared>>
        tpu.wait_indirect_dma semaphore(%run_scoped3A : memref<!tpu.dma_semaphore, #tpu.memory_space<semaphore_mem>>) src(%arg9 : memref<80x128xf32, #tpu.memory_space<vmem>>) dst(%dma_wait3A_30 : memref<10240x128xf32, #tpu.memory_space<vmem_shared>>)
        tpu.yield
      }) : () -> ()
    }
    %scan3A_9 = arith.constant 125 : i32
    %barrier3A_10 = arith.constant 0 : index
    tpu.barrier barrier_id(%barrier3A_10)
    %mul3A_11 = arith.constant 640 : i32
    %mul3A_12 = arith.muli %arg1, %mul3A_11 : i32
    %mul3A_13 = arith.constant 640 : i32
    %mul3A_14 = arith.muli %arg1, %mul3A_13 : i32
    "tpu.region"() ({
      %run_scoped3A = tpu.sem_alloc : memref<!tpu.dma_semaphore, #tpu.memory_space<semaphore_mem>>
      %dma_start3A = arith.constant 0 : i32
      %dma_start3A_15 = tpu.memref_slice %arg6[%arg0, %mul3A_14, %dma_start3A] : memref<2x10240x128xf32, #tpu.memory_space<hbm>> -> memref<1x640x128xf32, #tpu.memory_space<hbm>>
      %dma_start3A_16 = tpu.memref_squeeze %dma_start3A_15 : memref<1x640x128xf32, #tpu.memory_space<hbm>> -> memref<640x128xf32, #tpu.memory_space<hbm>>
      %dma_start3A_17 = arith.constant 0 : i32
      %dma_start3A_18 = tpu.memref_slice %arg10[%mul3A_12, %dma_start3A_17] : memref<10240x128xf32, #tpu.memory_space<vmem_shared>> -> memref<640x128xf32, #tpu.memory_space<vmem_shared>>
      tpu.enqueue_dma source(%dma_start3A_18 : memref<640x128xf32, #tpu.memory_space<vmem_shared>>) target(%dma_start3A_16 : memref<640x128xf32, #tpu.memory_space<hbm>>) target_semaphore(%run_scoped3A : memref<!tpu.dma_semaphore, #tpu.memory_space<semaphore_mem>>)
      %dma_wait3A = arith.constant 0 : i32
      %dma_wait3A_19 = tpu.memref_slice %arg6[%arg0, %mul3A_14, %dma_wait3A] : memref<2x10240x128xf32, #tpu.memory_space<hbm>> -> memref<1x640x128xf32, #tpu.memory_space<hbm>>
      %dma_wait3A_20 = tpu.memref_squeeze %dma_wait3A_19 : memref<1x640x128xf32, #tpu.memory_space<hbm>> -> memref<640x128xf32, #tpu.memory_space<hbm>>
      %dma_wait3A_21 = arith.constant 0 : i32
      %dma_wait3A_22 = tpu.memref_slice %arg10[%mul3A_12, %dma_wait3A_21] : memref<10240x128xf32, #tpu.memory_space<vmem_shared>> -> memref<640x128xf32, #tpu.memory_space<vmem_shared>>
      tpu.wait_dma2 semaphore(%run_scoped3A : memref<!tpu.dma_semaphore, #tpu.memory_space<semaphore_mem>>) src(%dma_wait3A_22 : memref<640x128xf32, #tpu.memory_space<vmem_shared>>) dst(%dma_wait3A_20 : memref<640x128xf32, #tpu.memory_space<hbm>>)
      tpu.yield
    }) : () -> ()
    return
  }
}

module attributes {stable_mosaic.version = 14 : i64} {
  func.func @_tc1(%arg0: memref<10000x128xf32, #tpu.memory_space<vmem>>, %arg1: memref<128x128xf32, #tpu.memory_space<vmem>>, %arg2: memref<10240x2xf32, #tpu.memory_space<vmem>>, %arg3: memref<10000x128xf32, #tpu.memory_space<vmem>>, %arg4: memref<10000x1xf32, #tpu.memory_space<vmem>>) attributes {dimension_semantics = [], scalar_prefetch = 0 : i64, scratch_operands = 0 : i64, tpu.core_type = #tpu.core_type<tc>} {
    %get3A = arith.constant 0 : index
    %get3A_0 = arith.constant 0 : index
    %get3A_1 = vector.load %arg2[%get3A, %get3A_0] : memref<10240x2xf32, #tpu.memory_space<vmem>>, vector<10240x1xf32>
    %get3A_2 = arith.constant 0 : index
    %get3A_3 = arith.constant 1 : index
    %get3A_4 = vector.load %arg2[%get3A_2, %get3A_3] : memref<10240x2xf32, #tpu.memory_space<vmem>>, vector<10240x1xf32>
    %add3A = arith.addf %get3A_1, %get3A_4 : vector<10240x1xf32>
    %add3A_5 = arith.constant 1.000000e+00 : f32
    %add3A_6 = vector.broadcast %add3A_5 : f32 to vector<10240x1xf32>
    %add3A_7 = arith.addf %add3A, %add3A_6 : vector<10240x1xf32>
    %slice3A = vector.extract_strided_slice %add3A_7 {offsets = [0, 0], sizes = [10000, 1], strides = [1, 1]} : vector<10240x1xf32> to vector<10000x1xf32>
    %rsqrt3A = math.rsqrt %slice3A : vector<10000x1xf32>
    %swap3A = arith.constant 0 : index
    %swap3A_8 = arith.constant 0 : index
    %swap3A_9 = vector.load %arg4[%swap3A, %swap3A_8] : memref<10000x1xf32, #tpu.memory_space<vmem>>, vector<10000x1xf32>
    tpu.vector_store %arg4[%swap3A, %swap3A_8], %rsqrt3A {strides = array<i32>} : memref<10000x1xf32, #tpu.memory_space<vmem>>, vector<10000x1xf32>,
    %get3A_10 = arith.constant 0 : index
    %get3A_11 = arith.constant 0 : index
    %get3A_12 = vector.load %arg0[%get3A_10, %get3A_11] : memref<10000x128xf32, #tpu.memory_space<vmem>>, vector<10000x128xf32>
    %get3A_13 = arith.constant 0 : index
    %get3A_14 = arith.constant 0 : index
    %get3A_15 = vector.load %arg1[%get3A_13, %get3A_14] : memref<128x128xf32, #tpu.memory_space<vmem>>, vector<128x128xf32>
    %dot_general3A = arith.constant dense<0.000000e+00> : vector<10000x128xf32>
    %dot_general3A_16 = tpu.matmul %get3A_12, %get3A_15, %dot_general3A {dimension_numbers = #tpu.dot_dimension_numbers<[1], [0], [0], [1], [0, 0, 1, 1], [], []>, transpose_lhs_hint = false} : vector<10000x128xf32>, vector<128x128xf32>, vector<10000x128xf32> -> vector<10000x128xf32>
    %mul3A = vector.broadcast %rsqrt3A : vector<10000x1xf32> to vector<10000x128xf32>
    %mul3A_17 = arith.mulf %dot_general3A_16, %mul3A : vector<10000x128xf32>
    %swap3A_18 = arith.constant 0 : index
    %swap3A_19 = arith.constant 0 : index
    %swap3A_20 = vector.load %arg3[%swap3A_18, %swap3A_19] : memref<10000x128xf32, #tpu.memory_space<vmem>>, vector<10000x128xf32>
    tpu.vector_store %arg3[%swap3A_18, %swap3A_19], %mul3A_17 {strides = array<i32>} : memref<10000x128xf32, #tpu.memory_space<vmem>>, vector<10000x128xf32>,
    return
  }
}

module attributes {stable_mosaic.version = 14 : i64} {
  func.func @_tc2(%arg0: memref<2x10240x128xf32, #tpu.memory_space<vmem>>, %arg1: memref<10000x128xf32, #tpu.memory_space<vmem>>, %arg2: memref<10000x1xf32, #tpu.memory_space<vmem>>, %arg3: memref<128xf32, #tpu.memory_space<vmem>>, %arg4: memref<128x128xf32, #tpu.memory_space<vmem>>, %arg5: memref<10000x128xf32, #tpu.memory_space<vmem>>) attributes {dimension_semantics = [], scalar_prefetch = 0 : i64, scratch_operands = 0 : i64, tpu.core_type = #tpu.core_type<tc>} {
    %get3A = arith.constant 0 : index
    %get3A_0 = arith.constant 0 : index
    %get3A_1 = arith.constant 0 : index
    %get3A_2 = vector.load %arg0[%get3A, %get3A_0, %get3A_1] : memref<2x10240x128xf32, #tpu.memory_space<vmem>>, vector<1x10240x128xf32>
    %get3A_3 = vector.shape_cast %get3A_2 : vector<1x10240x128xf32> to vector<10240x128xf32>
    %get3A_4 = arith.constant 1 : index
    %get3A_5 = arith.constant 0 : index
    %get3A_6 = arith.constant 0 : index
    %get3A_7 = vector.load %arg0[%get3A_4, %get3A_5, %get3A_6] : memref<2x10240x128xf32, #tpu.memory_space<vmem>>, vector<1x10240x128xf32>
    %get3A_8 = vector.shape_cast %get3A_7 : vector<1x10240x128xf32> to vector<10240x128xf32>
    %add3A = arith.addf %get3A_3, %get3A_8 : vector<10240x128xf32>
    %slice3A = vector.extract_strided_slice %add3A {offsets = [0, 0], sizes = [10000, 128], strides = [1, 1]} : vector<10240x128xf32> to vector<10000x128xf32>
    %get3A_9 = arith.constant 0 : index
    %get3A_10 = arith.constant 0 : index
    %get3A_11 = vector.load %arg1[%get3A_9, %get3A_10] : memref<10000x128xf32, #tpu.memory_space<vmem>>, vector<10000x128xf32>
    %add3A_12 = arith.addf %slice3A, %get3A_11 : vector<10000x128xf32>
    %get3A_13 = arith.constant 0 : index
    %get3A_14 = arith.constant 0 : index
    %get3A_15 = vector.load %arg2[%get3A_13, %get3A_14] : memref<10000x1xf32, #tpu.memory_space<vmem>>, vector<10000x1xf32>
    %mul3A = vector.broadcast %get3A_15 : vector<10000x1xf32> to vector<10000x128xf32>
    %mul3A_16 = arith.mulf %add3A_12, %mul3A : vector<10000x128xf32>
    %get3A_17 = arith.constant 0 : index
    %get3A_18 = vector.load %arg3[%get3A_17] : memref<128xf32, #tpu.memory_space<vmem>>, vector<128xf32>
    %broadcast_in_dim3A = vector.shape_cast %get3A_18 : vector<128xf32> to vector<1x128xf32>
    %add3A_19 = vector.broadcast %broadcast_in_dim3A : vector<1x128xf32> to vector<10000x128xf32>
    %add3A_20 = arith.addf %mul3A_16, %add3A_19 : vector<10000x128xf32>
    %max3A = arith.constant 0.000000e+00 : f32
    %max3A_21 = vector.broadcast %max3A : f32 to vector<10000x128xf32>
    %max3A_22 = arith.maximumf %add3A_20, %max3A_21 : vector<10000x128xf32>
    %get3A_23 = arith.constant 0 : index
    %get3A_24 = arith.constant 0 : index
    %get3A_25 = vector.load %arg4[%get3A_23, %get3A_24] : memref<128x128xf32, #tpu.memory_space<vmem>>, vector<128x128xf32>
    %dot_general3A = arith.constant dense<0.000000e+00> : vector<10000x128xf32>
    %dot_general3A_26 = tpu.matmul %max3A_22, %get3A_25, %dot_general3A {dimension_numbers = #tpu.dot_dimension_numbers<[1], [0], [0], [1], [0, 0, 1, 1], [], []>, transpose_lhs_hint = false} : vector<10000x128xf32>, vector<128x128xf32>, vector<10000x128xf32> -> vector<10000x128xf32>
    %mul3A_27 = vector.broadcast %get3A_15 : vector<10000x1xf32> to vector<10000x128xf32>
    %mul3A_28 = arith.mulf %dot_general3A_26, %mul3A_27 : vector<10000x128xf32>
    %swap3A = arith.constant 0 : index
    %swap3A_29 = arith.constant 0 : index
    %swap3A_30 = vector.load %arg5[%swap3A, %swap3A_29] : memref<10000x128xf32, #tpu.memory_space<vmem>>, vector<10000x128xf32>
    tpu.vector_store %arg5[%swap3A, %swap3A_29], %mul3A_28 {strides = array<i32>} : memref<10000x128xf32, #tpu.memory_space<vmem>>, vector<10000x128xf32>,
    return
  }
}

module attributes {stable_mosaic.version = 14 : i64} {
  func.func @_tc3(%arg0: memref<2x10240x128xf32, #tpu.memory_space<vmem>>, %arg1: memref<10000x128xf32, #tpu.memory_space<vmem>>, %arg2: memref<10000x1xf32, #tpu.memory_space<vmem>>, %arg3: memref<128xf32, #tpu.memory_space<vmem>>, %arg4: memref<1x10000xi32, #tpu.memory_space<vmem>>, %arg5: memref<128x1xf32, #tpu.memory_space<vmem>>, %arg6: memref<1xf32, #tpu.memory_space<vmem>>, %arg7: memref<64x1xf32, #tpu.memory_space<vmem>>) attributes {dimension_semantics = [], scalar_prefetch = 0 : i64, scratch_operands = 0 : i64, tpu.core_type = #tpu.core_type<tc>} {
    %get3A = arith.constant 0 : index
    %get3A_0 = arith.constant 0 : index
    %get3A_1 = arith.constant 0 : index
    %get3A_2 = vector.load %arg0[%get3A, %get3A_0, %get3A_1] : memref<2x10240x128xf32, #tpu.memory_space<vmem>>, vector<1x10240x128xf32>
    %get3A_3 = vector.shape_cast %get3A_2 : vector<1x10240x128xf32> to vector<10240x128xf32>
    %get3A_4 = arith.constant 1 : index
    %get3A_5 = arith.constant 0 : index
    %get3A_6 = arith.constant 0 : index
    %get3A_7 = vector.load %arg0[%get3A_4, %get3A_5, %get3A_6] : memref<2x10240x128xf32, #tpu.memory_space<vmem>>, vector<1x10240x128xf32>
    %get3A_8 = vector.shape_cast %get3A_7 : vector<1x10240x128xf32> to vector<10240x128xf32>
    %add3A = arith.addf %get3A_3, %get3A_8 : vector<10240x128xf32>
    %slice3A = vector.extract_strided_slice %add3A {offsets = [0, 0], sizes = [10000, 128], strides = [1, 1]} : vector<10240x128xf32> to vector<10000x128xf32>
    %get3A_9 = arith.constant 0 : index
    %get3A_10 = arith.constant 0 : index
    %get3A_11 = vector.load %arg1[%get3A_9, %get3A_10] : memref<10000x128xf32, #tpu.memory_space<vmem>>, vector<10000x128xf32>
    %add3A_12 = arith.addf %slice3A, %get3A_11 : vector<10000x128xf32>
    %get3A_13 = arith.constant 0 : index
    %get3A_14 = arith.constant 0 : index
    %get3A_15 = vector.load %arg2[%get3A_13, %get3A_14] : memref<10000x1xf32, #tpu.memory_space<vmem>>, vector<10000x1xf32>
    %mul3A = vector.broadcast %get3A_15 : vector<10000x1xf32> to vector<10000x128xf32>
    %mul3A_16 = arith.mulf %add3A_12, %mul3A : vector<10000x128xf32>
    %get3A_17 = arith.constant 0 : index
    %get3A_18 = vector.load %arg3[%get3A_17] : memref<128xf32, #tpu.memory_space<vmem>>, vector<128xf32>
    %broadcast_in_dim3A = vector.shape_cast %get3A_18 : vector<128xf32> to vector<1x128xf32>
    %add3A_19 = vector.broadcast %broadcast_in_dim3A : vector<1x128xf32> to vector<10000x128xf32>
    %add3A_20 = arith.addf %mul3A_16, %add3A_19 : vector<10000x128xf32>
    %max3A = arith.constant 0.000000e+00 : f32
    %max3A_21 = vector.broadcast %max3A : f32 to vector<10000x128xf32>
    %max3A_22 = arith.maximumf %add3A_20, %max3A_21 : vector<10000x128xf32>
    %get3A_23 = arith.constant 0 : index
    %get3A_24 = arith.constant 0 : index
    %get3A_25 = vector.load %arg4[%get3A_23, %get3A_24] : memref<1x10000xi32, #tpu.memory_space<vmem>>, vector<1x10000xi32>
    %iota3A = tpu.iota {dimensions = array<i32: 0>} : vector<64x1xi32>
    %eq3A = vector.broadcast %get3A_25 : vector<1x10000xi32> to vector<64x10000xi32>
    %eq3A_26 = vector.broadcast %iota3A : vector<64x1xi32> to vector<64x10000xi32>
    %eq3A_27 = arith.cmpi eq, %eq3A, %eq3A_26 : vector<64x10000xi32>
    %convert_element_type3A = arith.extui %eq3A_27 : vector<64x10000xi1> to vector<64x10000xi32>
    %convert_element_type3A_28 = arith.sitofp %convert_element_type3A : vector<64x10000xi32> to vector<64x10000xf32>
    %dot_general3A = arith.constant dense<0.000000e+00> : vector<64x128xf32>
    %dot_general3A_29 = tpu.matmul %convert_element_type3A_28, %max3A_22, %dot_general3A {dimension_numbers = #tpu.dot_dimension_numbers<[1], [0], [0], [1], [0, 0, 1, 1], [], []>, transpose_lhs_hint = false} : vector<64x10000xf32>, vector<10000x128xf32>, vector<64x128xf32> -> vector<64x128xf32>
    %reduce_sum3A = arith.constant dense<0.000000e+00> : vector<64xf32>
    %reduce_sum3A_30 = vector.multi_reduction <add>, %convert_element_type3A_28, %reduce_sum3A [1] : vector<64x10000xf32> to vector<64xf32>
    %broadcast_in_dim3A_31 = vector.shape_cast %reduce_sum3A_30 : vector<64xf32> to vector<64x1xf32>
    %max3A_32 = arith.constant 1.000000e+00 : f32
    %max3A_33 = vector.broadcast %max3A_32 : f32 to vector<64x1xf32>
    %max3A_34 = arith.maximumf %broadcast_in_dim3A_31, %max3A_33 : vector<64x1xf32>
    %div3A = vector.broadcast %max3A_34 : vector<64x1xf32> to vector<64x128xf32>
    %div3A_35 = arith.divf %dot_general3A_29, %div3A : vector<64x128xf32>
    %get3A_36 = arith.constant 0 : index
    %get3A_37 = arith.constant 0 : index
    %get3A_38 = vector.load %arg5[%get3A_36, %get3A_37] : memref<128x1xf32, #tpu.memory_space<vmem>>, vector<128x1xf32>
    %dot_general3A_39 = arith.constant dense<0.000000e+00> : vector<64x1xf32>
    %dot_general3A_40 = tpu.matmul %div3A_35, %get3A_38, %dot_general3A_39 {dimension_numbers = #tpu.dot_dimension_numbers<[1], [0], [0], [1], [0, 0, 1, 1], [], []>, transpose_lhs_hint = false} : vector<64x128xf32>, vector<128x1xf32>, vector<64x1xf32> -> vector<64x1xf32>
    %get3A_41 = arith.constant 0 : index
    %get3A_42 = vector.load %arg6[%get3A_41] : memref<1xf32, #tpu.memory_space<vmem>>, vector<1xf32>
    %broadcast_in_dim3A_43 = vector.shape_cast %get3A_42 : vector<1xf32> to vector<1x1xf32>
    %add3A_44 = vector.broadcast %broadcast_in_dim3A_43 : vector<1x1xf32> to vector<64x1xf32>
    %add3A_45 = arith.addf %dot_general3A_40, %add3A_44 : vector<64x1xf32>
    %logistic3A = arith.negf %add3A_45 : vector<64x1xf32>
    %logistic3A_46 = math.exp %logistic3A : vector<64x1xf32>
    %logistic3A_47 = arith.constant 1.000000e+00 : f32
    %logistic3A_48 = vector.broadcast %logistic3A_47 : f32 to vector<64x1xf32>
    %logistic3A_49 = arith.addf %logistic3A_48, %logistic3A_46 : vector<64x1xf32>
    %logistic3A_50 = arith.divf %logistic3A_48, %logistic3A_49 : vector<64x1xf32>
    %swap3A = arith.constant 0 : index
    %swap3A_51 = arith.constant 0 : index
    %swap3A_52 = vector.load %arg7[%swap3A, %swap3A_51] : memref<64x1xf32, #tpu.memory_space<vmem>>, vector<64x1xf32>
    tpu.vector_store %arg7[%swap3A, %swap3A_51], %logistic3A_50 {strides = array<i32>} : memref<64x1xf32, #tpu.memory_space<vmem>>, vector<64x1xf32>,
    return
  }
}

</mosaic_0001>

<sc_bundles>
// kernel: kernel.11.cloned.1.call-start
scs
__scs_entry_jumppad:
0x0: {  	(pc) =	sbr.rel $0x88, $3  }
0x1: {  	(tag) =	ssettag $0x0;
	lr =	simm.s32 $0x1  }
0x2: {  	[smem:$0x3F98] =	sst lr;
	_ =	strace $0xD0000000  }
0x3: {  	_ = 	snop  }
0x4: {  	_ = 	snop  }
0x5: {  	_ = 	snop  }
0x6: {  	_ = 	snop  }
0x7: {  	_ = 	snop  }
__scs_overlays_trampoline_lowered:
0x8: {  	[smem:$0x3FA7] =	sst s0  }
0x9: {  	[smem:$0x3FA8] =	sst s1  }
0xa: {  	[smem:$0x3FA9] =	sst s2  }
0xb: {  	[smem:$0x3FAA] =	sst s3  }
0xc: {  	[smem:$0x3FAB] =	sst s4  }
0xd: {  	[smem:$0x3FAC] =	sst s5  }
0xe: {  	[smem:$0x3FAD] =	sst s6  }
0xf: {  	[smem:$0x3FAE] =	sst s7  }
0x10: {  	[smem:$0x3FAF] =	sst s8  }
0x11: {  	[smem:$0x3FB0] =	sst s9;
	s0 =	simm.s32 @!p0 $0x0  }
0x12: {  	s1 =	sld [smem:$0x3F96];
	s0 =	simm.s32 @p0 $0x1  }
0x13: {  	[smem:$0x3FB1] =	sst s0;
	s0 =	simm.s32 @!p1 $0x0  }
0x14: {  	s2 =	sld [smem:$0x3F95];
	s0 =	simm.s32 @p1 $0x1  }
0x15: {  	[smem:$0x3FB2] =	sst s0;
	s0 =	simm.s32 @!p2 $0x0  }
0x16: {  	s3 =	sld [smem:$0x3FDB];
	s0 =	simm.s32 @p2 $0x1  }
0x17: {  	s4 =	simm.s32 $0x1BF5;
	[smem:$0x3FB4] =	sst s0  }
0x18: {  	s0 =	sld [smem:$0x3F97];
	_ =	swait.ge [sflag:s4], $0x0  }
0x19: {  	s7 =	sld [smem:$0x3F98]  }
0x1a: {  	s8 =	sadd.s32 $0xFFFFE003, lr  }
0x1b: {  	s9 =	sadd.s32 $0xFFFFFEF7, lr;
	s5 =	simm.s32 $0xFFFFFFFF;
	p2 =	slt.u32 s8, $0xFFFFF086  }
0x1c: {  	p1 =	slt.u32 s9, $0xF7A;
	s5 =	simm.s32 @!p2 $0x0  }
0x1d: {  	s5 =	simm.s32 @p1 $0x1;
	p0 =	seq.s32 s7, s2  }
0x1e: {  	s7 =	smul.u32 @!p0 $0xF7A, s2;
	p2 =	seq.s32 @!p0 s5, $0x0  }
0x1f: {  	s9 =	smul.u32 $0xF7A, s1;
	s8 =	simm.s32 @!p0 $0x1BF5;
	p2 =	por !p2, p0  }
0x20: {  	[sflag:s8] =	ssyncset.s32 @!p0 $0xFFFFF086;
	s6 =	sadd.s32 @!p0 s3, s7;
	s7 =	simm.s32 @!p0 $0x108  }
0x21: {  	s3 =	sadd.s32 s3, s9;
	s6 =	sadd.s32 @!p0 $0x88, s6;
	s7 =	simm.s32 @p2 $0x1082  }
0x22: {  	[simem:s7], [sflag:s8] =	dma.local @!p0 [hbm:s6], $0xF7A  }
0x23: {  	s9 =	sor.u32 $0xD0000000, s2;
	s6 =	simm.s32 $0x108;
	_ =	swait.ge @!p0 [sflag:s8], $0x0  }
0x24: {  	s3 =	sadd.s32 $0x88, s3;
	s6 =	simm.s32 @!p1 $0x1082;
	[sflag:s4] =	ssyncset.s32 $0xFFFFF086  }
0x25: {  	[simem:s6], [sflag:s4] =	dma.local [hbm:s3], $0xF7A  }
0x26: {  	[smem:$0x3F98] =	sst s1;
	(tag) =	ssettag s2;
	_ =	strace s9  }
0x27: {  	s1 =	sld [smem:$0x3FA8]  }
0x28: {  	s2 =	sld [smem:$0x3FA9]  }
0x29: {  	s4 =	sld [smem:$0x3FAB]  }
0x2a: {  	p0 =	seq.s32 s5, $0x0;
	s5 =	sld [smem:$0x3FAC]  }
0x2b: {  	s6 =	sld [smem:$0x3FAD]  }
0x2c: {  	s7 =	sld [smem:$0x3FAE]  }
0x2d: {  	s3 =	simm.s32 $0x108;
	s8 =	sld [smem:$0x3FAF]  }
0x2e: {  	s3 =	simm.s32 @!p0 $0x1082;
	s9 =	sld [smem:$0x3FB0]  }
0x2f: {  	lr =	sadd.s32 s0, s3;
	s0 =	sld [smem:$0x3FA7]  }
0x30: {  	s3 =	sld [smem:$0x3FAA]  }
0x31: {  	[smem:$0x3FB3] =	sst s10  }
0x32: {  	s10 =	sld [smem:$0x3FB1];
	_ =	sdelay $0x3  }
0x33: {  	p0 =	seq.s32 s10, $0x1;
	s10 =	sld [smem:$0x3FB3];
	_ =	sdelay $0x3  }
0x34: {  	[smem:$0x3FB3] =	sst s10  }
0x35: {  	s10 =	sld [smem:$0x3FB2];
	_ =	sdelay $0x3  }
0x36: {  	p1 =	seq.s32 s10, $0x1;
	s10 =	sld [smem:$0x3FB3];
	_ =	sdelay $0x3  }
0x37: {  	[smem:$0x3FB3] =	sst s10  }
0x38: {  	s10 =	sld [smem:$0x3FB4]  }
0x39: {  	_ = 	snop;
	(pc) =	sbr.ind lr, $3  }
0x3a: {  	_ = 	snop  }
0x3b: {  	_ = 	snop  }
0x3c: {  	p2 =	seq.s32 s10, $0x1;
	s10 =	sld [smem:$0x3FB3]  }
0x3d: {  	_ =	shalt  }
0x3e: {  	_ =	shalt  }
0x3f: {  	_ =	shalt  }
0x40: {  	_ =	shalt  }
0x41: {  	_ =	shalt  }
0x42: {  	_ =	shalt  }
0x43: {  	_ =	shalt  }
0x44: {  	_ =	shalt  }
0x45: {  	_ =	shalt  }
0x46: {  	_ =	shalt  }
0x47: {  	_ =	shalt  }
0x48: {  	_ =	shalt  }
0x49: {  	_ =	shalt  }
0x4a: {  	_ =	shalt  }
0x4b: {  	_ =	shalt  }
0x4c: {  	_ =	shalt  }
0x4d: {  	_ =	shalt  }
0x4e: {  	_ =	shalt  }
0x4f: {  	_ =	shalt  }
0x50: {  	_ =	shalt  }
0x51: {  	_ =	shalt  }
0x52: {  	_ =	shalt  }
0x53: {  	_ =	shalt  }
0x54: {  	_ =	shalt  }
0x55: {  	_ =	shalt  }
0x56: {  	_ =	shalt  }
0x57: {  	_ =	shalt  }
0x58: {  	_ =	shalt  }
0x59: {  	_ =	shalt  }
0x5a: {  	_ =	shalt  }
0x5b: {  	_ =	shalt  }
0x5c: {  	_ =	shalt  }
0x5d: {  	_ =	shalt  }
0x5e: {  	_ =	shalt  }
0x5f: {  	_ =	shalt  }
0x60: {  	_ =	shalt  }
0x61: {  	_ =	shalt  }
0x62: {  	_ =	shalt  }
0x63: {  	_ =	shalt  }
0x64: {  	_ =	shalt  }
0x65: {  	_ =	shalt  }
0x66: {  	_ =	shalt  }
0x67: {  	_ =	shalt  }
0x68: {  	_ =	shalt  }
0x69: {  	_ =	shalt  }
0x6a: {  	_ =	shalt  }
0x6b: {  	_ =	shalt  }
0x6c: {  	_ =	shalt  }
0x6d: {  	_ =	shalt  }
0x6e: {  	_ =	shalt  }
0x6f: {  	_ =	shalt  }
0x70: {  	_ =	shalt  }
0x71: {  	_ =	shalt  }
0x72: {  	_ =	shalt  }
0x73: {  	_ =	shalt  }
0x74: {  	_ =	shalt  }
0x75: {  	_ =	shalt  }
0x76: {  	_ =	shalt  }
0x77: {  	_ =	shalt  }
0x78: {  	_ =	shalt  }
0x79: {  	_ =	shalt  }
0x7a: {  	_ =	shalt  }
0x7b: {  	_ =	shalt  }
0x7c: {  	_ =	shalt  }
0x7d: {  	_ =	shalt  }
0x7e: {  	_ =	shalt  }
0x7f: {  	_ =	shalt  }
0x80: {  	_ =	shalt  }
0x81: {  	_ =	shalt  }
0x82: {  	_ =	shalt  }
0x83: {  	_ =	shalt  }
0x84: {  	_ =	shalt  }
0x85: {  	_ =	shalt  }
0x86: {  	_ =	shalt  }
0x87: {  	_ =	shalt  }
.Lfunc_end0:
.L_simem_size_0:
called_computation.1_lowered:
.L_overlay_start_0:
0x88: {  	s2 =	sld [smem:$0x3FD9]  }
0x89: {  	s3 =	sld [smem:$0x3FFE];
	_ =	sdelay $0x1  }
0x8a: {  	s1 =	srdreg.scid  }
0x8b: {  	s0 =	sand.u32 $0x1, s1  }
0x8c: {  	s16 =	sshll.u32 s0, $0xA;
	s2 =	sadd.s32 s3, s2  }
0x8d: {  	s2 =	sadd.s32 s2, s16  }
0x8e: {  	[smem:$0x3FBF] =	sst s2  }
0x8f: {  	_ = 	snop  }
0x90: {  	(tm) =	ssettm $0x1  }
0x91: {  	s17 =	sld [smem:$0x3FFB];
	_ =	sdelay $0x3  }
0x92: {  	_ =	strace s17  }
0x93: {  	s2 =	sld [smem:$0x3FFC];
	_ =	sdelay $0x3  }
0x94: {  	_ =	strace s2  }
0x95: {  	s2 =	sld [smem:$0x3FFD];
	_ =	sdelay $0x3  }
0x96: {  	_ =	strace s2  }
0x97: {  	_ =	strace $0x8FFFFFFF  }
0x98: {  	s18 =	sld [smem:$0x3FDB];
	_ =	sdelay $0x1  }
0x99: {  	s19 =	simm.s32 $_scs_section_size  }
0x9a: {  	s4 =	simm.s32 $_size__tile_overlayer_lowered;
	s5 =	simm.s32 $_tile_overlayer_lowered  }
0x9b: {  	s22 =	simm.s32 $0x1BFF;
	s21 =	sshll.u32 s5, $0x1;
	s2 =	sadd.s32 s19, s18  }
0x9c: {  	s6 =	simm.s32 $0x0;
	s20 =	sshll.u32 s4, $0x1;
	s4 =	sadd.s32 s21, s2  }
0x9d: {  	[timem:s6], [sflag:s22] =	dma.local [hbm:s4], s20  }
0x9e: {  	_ =	swait.ge [sflag:s22], s20  }
0x9f: {  	s3 =	ssub.s32 $0x0, s20;
	[sflag:s22] =	ssyncset.done $0x0  }
0xa0: {  	[sflag:s22] =	ssyncadd.s32 s3;
	_ =	sdelay $0x1  }
0xa1: {  	s23 =	simm.s32 $0x1B8B  }
0xa2: {  	_ =	swait.ge [sflag:s23], $0x1  }
0xa3: {  	[sflag:s23] =	ssyncset.done $0x0  }
0xa4: {  	s25 =	simm.s32 $0x1B8E;
	s24 =	sld [smem:$0x3FFE];
	[sflag:s23] =	ssyncadd.s32 $0xFFFFFFFF  }
0xa5: {  	s26 =	simm.s32 $execute0_lowered;
	[smem:$0x3FD2] =	sst s25  }
0xa6: {  	s4 =	sshll.u32 s26, $0x1;
	_ =	strace $0x80000049;
	[dreg:$0x1] =	wrdreg $0xFFFFFFFF  }
0xa7: {  	s28 =	simm.s32 $_size_execute0_lowered;
	s2 =	sadd.s32 s2, s4;
	[dreg:$0x0] =	wrdreg $0x0  }
0xa8: {  	s4 =	sshll.u32 s28, $0x1;
	[dreg:$0x2] =	wrdreg s2  }
0xa9: {  	[dreg:$0x3] =	wrdreg s4  }
0xaa: {  	[dreg:$0x4] =	wrdreg $0xC0  }
0xab: {  	_ =	task [dreg:s6], $0x5FFFF  }
0xac: {  	[dreg:$0x1] =	wrdreg $0xFFFFFFFF  }
0xad: {  	[dreg:$0x0] =	wrdreg $0x60  }
0xae: {  	[dreg:$0x2] =	wrdreg s24  }
0xaf: {  	[dreg:$0x3] =	wrdreg $0x29000  }
0xb0: {  	[dreg:$0x4] =	wrdreg $0x9  }
0xb1: {  	_ =	task.clear_ibuf [dreg:s6], $0x5FFFF;
	_ =	strace $0x90000049  }
0xb2: {  	s29 =	simm.s32 $0x9;
	_ =	strace $0x8000004B  }
0xb3: {  	_ =	swait.ge [sflag:s29], $0x1  }
0xb4: {  	[sflag:s29] =	ssyncadd.s32 $0xFFFFFFFF  }
0xb5: {  	_ =	strace $0x9000004B  }
0xb6: {  	_ =	sfence  }
0xb7: {  	s30 =	sld [smem:$0x0];
	_ =	sdelay $0x2  }
0xb8: {  	s31 =	sshll.u32 s1, $0xD;
	s1 =	sshrl.u32 s1, $0x2  }
0xb9: {  	s3 =	sand.u32 $0x4000, s31;
	s1 =	sadd.s32 s1, s30  }
0xba: {  	s0 =	sor.u32 s3, s0;
	s1 =	sshll.u32 s1, $0x11  }
0xbb: {  	s0 =	sor.u32 s1, s0  }
0xbc: {  	s0 =	sadd.s32 $0x8F2B, s0  }
0xbd: {  	[sflag:s0] =	ssyncadd.remote.s32 $0x1  }
0xbe: {  	_ =	sfence.sel $0xFFFF  }
0xbf: {  	[dreg:$0x0] =	wrdreg $0xFFFFFFFF;
	(pc) =	sbr.abs _section_cstart, $3  }
0xc0: {  	[dreg:$0x1] =	wrdreg $0xFFFFFFFF  }
0xc1: {  	_ =	task.clear_ibuf [dreg:s6], $0x2FFFF;
	_ =	strace $0x9FFFFFFF  }
0xc2: {  	(tm) =	ssettm $0x7FFFFFFF  }
0xc3: {  	_ =	shalt  }
tec
execute0_lowered:
.L_overlay_start_1:
0x0: {  	(tag) =	ssettag $0x1  }
0x1: {  	s5 =	rddreg [dreg:$0x0]  }
0x2: {  	s0 =	srdreg.scid;
	s2 =	rddreg [dreg:$0x1]  }
0x3: {  	s1 =	rddreg [dreg:$0x2];
	s3 =	simm.s32 $0x0;
	s6 =	sand.u32 $0x1, s0  }
0x4: {  	s13 =	simm.s32 $0x80;
	s0 =	stileid.u32;
	s4 =	smul.u32 $0x27100, s6  }
0x5: {  	s14 =	simm.s32 $0x50;
	s15 =	simm.s32 $0x100;
	s7 =	smul.u32 $0x2710, s0  }
0x6: {  	s16 =	simm.s32 $0x1;
	[smem:$0x7FF] =	sst s3;
	s26 =	smul.u32 $0x14000, s0  }
0x7: {  	s17 =	simm.s32 $0x0;
	_ =	strace $0x8000004A;
	s9 =	smul.u32 $0x140000, s6  }
0x8: {  	s6 =	ssub.s32 $0x2, s6;
	s29 =	smul.u32 $0x50000, s0;
	s31 =	sshll.u32 s0, $0x6  }
0x9: {  	s11 =	sshrl.u32 s6, $0x1;
	s4 =	sadd.s32 s7, s4;
	s28 =	sshrl.u32 s26, $0x3  }
0xa: {  	s7 =	sadd.s32 s26, s9;
	s11 =	ssub.s32 s6, s11;
	s30 =	sshrl.u32 s29, $0x2  }
0xb: {  	s6 =	sor.u32 $0x1C02, s31;
	s8 =	sshrl.u32 s4, $0x3;
	s4 =	sadd.s32 $0x16000, s5  }
0xc: {  	s7 =	sshrl.u32 s7, $0x3;
	s10 =	sadd.s32 s8, s5;
	s8 =	sadd.s32 s28, s5  }
0xd: {  	s12 =	sadd.s32 s30, s2;
	s7 =	sadd.s32 s7, s5;
	s5 =	sadd.s32 $0x3D200, s8  }
0xe: {  	s7 =	sadd.s32 $0x65200, s7;
	s8 =	smax.u32 s11, $0x1;
	s9 =	sadd.s32 $0xC200, s10  }
0xf: {  	s10 =	sadd.s32 $0x2400, s10;
	s11 =	sshrl.u32 s12, $0x3;
	s12 =	simm.s32 $0x2  }
.LBB2_1:
0x10: {  	[spmem:s11], [sflag:s6] =	dma.local [hbm:s5], $0x2800  }
0x11: {  	_ =	swait.ge [sflag:s12], $0x2800  }
0x12: {  	[sflag:s12] =	ssyncset.done $0x0  }
0x13: {  	[sflag:s12] =	ssyncadd.s32 $0xFFFFD800  }
0x14: {  	s18 =	sadd.s32 $0x0, s10;
	[bflag:$0x0] =	sbarrier.arrive $0xFFFF  }
0x15: {  	[tilespmem:s3], [sflag:$0x2] =	stream.linear.gather [hbm4b:s18+s3], $0x50, $0x38;
	[tilespmem:$0x16900] =	vst v63  }
0x16: {  	_ =	swait.ge [sflag:s12], $0x50  }
0x17: {  	[sflag:s12] =	ssyncset.done $0x0  }
0x18: {  	s31 =	sadd.s32 $0x0, s9;
	[sflag:s12] =	ssyncadd.s32 $0xFFFFFFB0  }
0x19: {  	[tilespmem:s13], [sflag:$0x2] =	stream.linear.gather [hbm4b:s31+s3], $0x50, $0x38;
	[tilespmem:$0x16900] =	vst v63  }
0x1a: {  	_ =	swait.ge [sflag:s12], $0x50  }
0x1b: {  	[sflag:s12] =	ssyncset.done $0x0  }
0x1c: {  	[sflag:s12] =	ssyncadd.s32 $0xFFFFFFB0  }
0x1d: {  	[tilespmem:s15], [sflag:$0x1] =	stream.indirect.gather [hbm4b:s4+s14], $0x80, s3, s14, $0xb8;
	[tilespmem:$0x16900] =	vst v63  }
0x1e: {  	_ =	swait.ge [sflag:s16], $0x2800  }
0x1f: {  	[sflag:s16] =	ssyncset.done $0x0  }
0x20: {  	[sflag:s16] =	ssyncadd.s32 $0xFFFFD800  }
0x21: {  	[spmem:s2] =	stream.indirect.scatter.add.f32 [tilespmem:s15], [sflag:$0x2], $0x80, s13, s14, $0xb8;
	[tilespmem:$0x16900] =	vst v63  }
0x22: {  	_ =	swait.ge [sflag:s12], $0x2800  }
0x23: {  	s19 =	simm.s32 $0x14;
	s18 =	simm.s32 $0xA;
	[sflag:s12] =	ssyncset.done $0x0  }
.LBB2_2:
0x24: {  	s20 =	sadd.s32 s18, s10  }
0x25: {  	[sflag:s12] =	ssyncadd.s32 $0xFFFFD800;
	s21 =	smov.u32 s19;
	s22 =	sadd.s32 $0xA, s19  }
0x26: {  	[tilespmem:s3], [sflag:$0x2] =	stream.linear.gather [hbm4b:s20+s3], $0x50, $0x38;
	[tilespmem:$0x16900] =	vst v63  }
0x27: {  	p0 =	sne.s32 s19, $0x4D8;
	_ =	swait.ge [sflag:s12], $0x50  }
0x28: {  	[sflag:s12] =	ssyncset.done $0x0  }
0x29: {  	s19 =	sadd.s32 s18, s9;
	s18 =	smov.u32 s21;
	[sflag:s12] =	ssyncadd.s32 $0xFFFFFFB0  }
0x2a: {  	[tilespmem:s13], [sflag:$0x2] =	stream.linear.gather [hbm4b:s19+s3], $0x50, $0x38;
	[tilespmem:$0x16900] =	vst v63  }
0x2b: {  	_ =	swait.ge [sflag:s12], $0x50  }
0x2c: {  	[sflag:s12] =	ssyncset.done $0x0  }
0x2d: {  	[sflag:s12] =	ssyncadd.s32 $0xFFFFFFB0  }
0x2e: {  	[tilespmem:s15], [sflag:$0x1] =	stream.indirect.gather [hbm4b:s4+s14], $0x80, s3, s14, $0xb8;
	[tilespmem:$0x16900] =	vst v63  }
0x2f: {  	_ =	swait.ge [sflag:s16], $0x2800  }
.Ltmp0:
0x30: {  	[sflag:s16] =	ssyncset.done $0x0;
	(pc) =	sbr.rel @p0 .LBB2_2-.Ltmp0, $4  }
0x31: {  	[sflag:s16] =	ssyncadd.s32 $0xFFFFD800  }
0x32: {  	[spmem:s2] =	stream.indirect.scatter.add.f32 [tilespmem:s15], [sflag:$0x2], $0x80, s13, s14, $0xb8;
	[tilespmem:$0x16900] =	vst v63  }
0x33: {  	_ =	swait.ge [sflag:s12], $0x2800  }
0x34: {  	s19 =	smov.u32 s22;
	[sflag:s12] =	ssyncset.done $0x0  }
0x35: {  	s19 =	sadd.s32 s18, s10;
	[sflag:s12] =	ssyncadd.s32 $0xFFFFD800  }
0x36: {  	[tilespmem:s3], [sflag:$0x2] =	stream.linear.gather [hbm4b:s19+s3], $0x50, $0x38;
	[tilespmem:$0x16900] =	vst v63  }
0x37: {  	_ =	swait.ge [sflag:s12], $0x50  }
0x38: {  	[sflag:s12] =	ssyncset.done $0x0  }
0x39: {  	s31 =	sadd.s32 s18, s9;
	[sflag:s12] =	ssyncadd.s32 $0xFFFFFFB0  }
0x3a: {  	[tilespmem:s13], [sflag:$0x2] =	stream.linear.gather [hbm4b:s31+s3], $0x50, $0x38;
	[tilespmem:$0x16900] =	vst v63  }
0x3b: {  	_ =	swait.ge [sflag:s12], $0x50  }
0x3c: {  	[sflag:s12] =	ssyncset.done $0x0  }
0x3d: {  	[sflag:s12] =	ssyncadd.s32 $0xFFFFFFB0  }
0x3e: {  	[tilespmem:s15], [sflag:$0x1] =	stream.indirect.gather [hbm4b:s4+s14], $0x80, s3, s14, $0xb8;
	[tilespmem:$0x16900] =	vst v63  }
0x3f: {  	_ =	swait.ge [sflag:s16], $0x2800  }
0x40: {  	[sflag:s16] =	ssyncset.done $0x0  }
0x41: {  	[sflag:s16] =	ssyncadd.s32 $0xFFFFD800  }
0x42: {  	[spmem:s2] =	stream.indirect.scatter.add.f32 [tilespmem:s15], [sflag:$0x2], $0x80, s13, s14, $0xb8;
	[tilespmem:$0x16900] =	vst v63  }
0x43: {  	_ =	swait.ge [sflag:s12], $0x2800  }
0x44: {  	s17 =	sadd.s32 $0x1, s17;
	[sflag:s12] =	ssyncset.done $0x0  }
0x45: {  	p0 =	sne.s32 s17, s8;
	[sflag:s12] =	ssyncadd.s32 $0xFFFFD800  }
.Ltmp1:
0x46: {  	[bflag:$0x0] =	sbarrier.arrive $0xFFFF;
	(pc) =	sbr.rel @p0 .LBB2_1-.Ltmp1, $4  }
0x47: {  	[hbm:s7], [sflag:s6] =	dma.local [spmem:s11], $0x2800  }
0x48: {  	_ =	swait.ge [sflag:s12], $0x2800  }
0x49: {  	[sflag:s12] =	ssyncset.done $0x0  }
0x4a: {  	[sflag:s12] =	ssyncadd.s32 $0xFFFFD800  }
0x4b: {  	_ =	sfence.sel $0x180000  }
0x4c: {  	[bflag:$0x0] =	sbarrier.arrive $0xFFFF  }
0x4d: {  	p0 =	sne.s32 s0, $0x0;
	_ =	strace $0x9000004A  }
0x4e: {  	s0 =	sadd.s32 @!p0 $0x100000, s1;
	[bflag:$0x2] =	sbarrier.arrive $0xFFFF  }
0x4f: {  	[sflag:s0] =	ssyncadd.tile.s32 @!p0 $0x1;
	_ =	shalt  }
.Lfunc_end2:
_tile_overlayer_lowered:
.L_overlay_start_2:
0x50: {  	(tag) =	ssettag $0x2  }
0x51: {  	s0 =	rddreg [dreg:$0x0];
	s2 =	stileid.u32  }
0x52: {  	s1 =	rddreg [dreg:$0x1];
	p0 =	sne.s32 s2, $0x0  }
0x53: {  	s3 =	rddreg [dreg:$0x2];
	[bflag:$0x3] =	sbarrier.arrive $0xFFFF;
	s2 =	simm.s32 @!p0 $0x1C02  }
0x54: {  	[timem:s3], [sflag:s2] =	dma.local @!p0 [hbm:s0], s1  }
0x55: {  	s0 =	simm.s32 @!p0 $0x2  }
0x56: {  	_ =	swait.ge @!p0 [sflag:s0], s1  }
0x57: {  	s1 =	ssub.s32 @!p0 $0x0, s1;
	[sflag:s0] =	ssyncset.done @!p0 $0x0  }
0x58: {  	[sflag:s0] =	ssyncadd.s32 @!p0 s1  }
0x59: {  	[bflag:$0x3] =	sbarrier.arrive $0xFFFF  }
0x5a: {  	_ =	shalt  }

// kernel: kernel.14.cloned.1.call-start
scs
__scs_entry_jumppad:
0x0: {  	(pc) =	sbr.rel $0x88, $3  }
0x1: {  	(tag) =	ssettag $0x0;
	lr =	simm.s32 $0x1  }
0x2: {  	[smem:$0x3F98] =	sst lr;
	_ =	strace $0xD0000000  }
0x3: {  	_ = 	snop  }
0x4: {  	_ = 	snop  }
0x5: {  	_ = 	snop  }
0x6: {  	_ = 	snop  }
0x7: {  	_ = 	snop  }
__scs_overlays_trampoline_lowered:
0x8: {  	[smem:$0x3FA7] =	sst s0  }
0x9: {  	[smem:$0x3FA8] =	sst s1  }
0xa: {  	[smem:$0x3FA9] =	sst s2  }
0xb: {  	[smem:$0x3FAA] =	sst s3  }
0xc: {  	[smem:$0x3FAB] =	sst s4  }
0xd: {  	[smem:$0x3FAC] =	sst s5  }
0xe: {  	[smem:$0x3FAD] =	sst s6  }
0xf: {  	[smem:$0x3FAE] =	sst s7  }
0x10: {  	[smem:$0x3FAF] =	sst s8  }
0x11: {  	[smem:$0x3FB0] =	sst s9;
	s0 =	simm.s32 @!p0 $0x0  }
0x12: {  	s1 =	sld [smem:$0x3F96];
	s0 =	simm.s32 @p0 $0x1  }
0x13: {  	[smem:$0x3FB1] =	sst s0;
	s0 =	simm.s32 @!p1 $0x0  }
0x14: {  	s2 =	sld [smem:$0x3F95];
	s0 =	simm.s32 @p1 $0x1  }
0x15: {  	[smem:$0x3FB2] =	sst s0;
	s0 =	simm.s32 @!p2 $0x0  }
0x16: {  	s3 =	sld [smem:$0x3FDB];
	s0 =	simm.s32 @p2 $0x1  }
0x17: {  	s4 =	simm.s32 $0x1BF5;
	[smem:$0x3FB4] =	sst s0  }
0x18: {  	s0 =	sld [smem:$0x3F97];
	_ =	swait.ge [sflag:s4], $0x0  }
0x19: {  	s7 =	sld [smem:$0x3F98]  }
0x1a: {  	s8 =	sadd.s32 $0xFFFFE003, lr  }
0x1b: {  	s9 =	sadd.s32 $0xFFFFFEF7, lr;
	s5 =	simm.s32 $0xFFFFFFFF;
	p2 =	slt.u32 s8, $0xFFFFF086  }
0x1c: {  	p1 =	slt.u32 s9, $0xF7A;
	s5 =	simm.s32 @!p2 $0x0  }
0x1d: {  	s5 =	simm.s32 @p1 $0x1;
	p0 =	seq.s32 s7, s2  }
0x1e: {  	s7 =	smul.u32 @!p0 $0xF7A, s2;
	p2 =	seq.s32 @!p0 s5, $0x0  }
0x1f: {  	s9 =	smul.u32 $0xF7A, s1;
	s8 =	simm.s32 @!p0 $0x1BF5;
	p2 =	por !p2, p0  }
0x20: {  	[sflag:s8] =	ssyncset.s32 @!p0 $0xFFFFF086;
	s6 =	sadd.s32 @!p0 s3, s7;
	s7 =	simm.s32 @!p0 $0x108  }
0x21: {  	s3 =	sadd.s32 s3, s9;
	s6 =	sadd.s32 @!p0 $0x88, s6;
	s7 =	simm.s32 @p2 $0x1082  }
0x22: {  	[simem:s7], [sflag:s8] =	dma.local @!p0 [hbm:s6], $0xF7A  }
0x23: {  	s9 =	sor.u32 $0xD0000000, s2;
	s6 =	simm.s32 $0x108;
	_ =	swait.ge @!p0 [sflag:s8], $0x0  }
0x24: {  	s3 =	sadd.s32 $0x88, s3;
	s6 =	simm.s32 @!p1 $0x1082;
	[sflag:s4] =	ssyncset.s32 $0xFFFFF086  }
0x25: {  	[simem:s6], [sflag:s4] =	dma.local [hbm:s3], $0xF7A  }
0x26: {  	[smem:$0x3F98] =	sst s1;
	(tag) =	ssettag s2;
	_ =	strace s9  }
0x27: {  	s1 =	sld [smem:$0x3FA8]  }
0x28: {  	s2 =	sld [smem:$0x3FA9]  }
0x29: {  	s4 =	sld [smem:$0x3FAB]  }
0x2a: {  	p0 =	seq.s32 s5, $0x0;
	s5 =	sld [smem:$0x3FAC]  }
0x2b: {  	s6 =	sld [smem:$0x3FAD]  }
0x2c: {  	s7 =	sld [smem:$0x3FAE]  }
0x2d: {  	s3 =	simm.s32 $0x108;
	s8 =	sld [smem:$0x3FAF]  }
0x2e: {  	s3 =	simm.s32 @!p0 $0x1082;
	s9 =	sld [smem:$0x3FB0]  }
0x2f: {  	lr =	sadd.s32 s0, s3;
	s0 =	sld [smem:$0x3FA7]  }
0x30: {  	s3 =	sld [smem:$0x3FAA]  }
0x31: {  	[smem:$0x3FB3] =	sst s10  }
0x32: {  	s10 =	sld [smem:$0x3FB1];
	_ =	sdelay $0x3  }
0x33: {  	p0 =	seq.s32 s10, $0x1;
	s10 =	sld [smem:$0x3FB3];
	_ =	sdelay $0x3  }
0x34: {  	[smem:$0x3FB3] =	sst s10  }
0x35: {  	s10 =	sld [smem:$0x3FB2];
	_ =	sdelay $0x3  }
0x36: {  	p1 =	seq.s32 s10, $0x1;
	s10 =	sld [smem:$0x3FB3];
	_ =	sdelay $0x3  }
0x37: {  	[smem:$0x3FB3] =	sst s10  }
0x38: {  	s10 =	sld [smem:$0x3FB4]  }
0x39: {  	_ = 	snop;
	(pc) =	sbr.ind lr, $3  }
0x3a: {  	_ = 	snop  }
0x3b: {  	_ = 	snop  }
0x3c: {  	p2 =	seq.s32 s10, $0x1;
	s10 =	sld [smem:$0x3FB3]  }
0x3d: {  	_ =	shalt  }
0x3e: {  	_ =	shalt  }
0x3f: {  	_ =	shalt  }
0x40: {  	_ =	shalt  }
0x41: {  	_ =	shalt  }
0x42: {  	_ =	shalt  }
0x43: {  	_ =	shalt  }
0x44: {  	_ =	shalt  }
0x45: {  	_ =	shalt  }
0x46: {  	_ =	shalt  }
0x47: {  	_ =	shalt  }
0x48: {  	_ =	shalt  }
0x49: {  	_ =	shalt  }
0x4a: {  	_ =	shalt  }
0x4b: {  	_ =	shalt  }
0x4c: {  	_ =	shalt  }
0x4d: {  	_ =	shalt  }
0x4e: {  	_ =	shalt  }
0x4f: {  	_ =	shalt  }
0x50: {  	_ =	shalt  }
0x51: {  	_ =	shalt  }
0x52: {  	_ =	shalt  }
0x53: {  	_ =	shalt  }
0x54: {  	_ =	shalt  }
0x55: {  	_ =	shalt  }
0x56: {  	_ =	shalt  }
0x57: {  	_ =	shalt  }
0x58: {  	_ =	shalt  }
0x59: {  	_ =	shalt  }
0x5a: {  	_ =	shalt  }
0x5b: {  	_ =	shalt  }
0x5c: {  	_ =	shalt  }
0x5d: {  	_ =	shalt  }
0x5e: {  	_ =	shalt  }
0x5f: {  	_ =	shalt  }
0x60: {  	_ =	shalt  }
0x61: {  	_ =	shalt  }
0x62: {  	_ =	shalt  }
0x63: {  	_ =	shalt  }
0x64: {  	_ =	shalt  }
0x65: {  	_ =	shalt  }
0x66: {  	_ =	shalt  }
0x67: {  	_ =	shalt  }
0x68: {  	_ =	shalt  }
0x69: {  	_ =	shalt  }
0x6a: {  	_ =	shalt  }
0x6b: {  	_ =	shalt  }
0x6c: {  	_ =	shalt  }
0x6d: {  	_ =	shalt  }
0x6e: {  	_ =	shalt  }
0x6f: {  	_ =	shalt  }
0x70: {  	_ =	shalt  }
0x71: {  	_ =	shalt  }
0x72: {  	_ =	shalt  }
0x73: {  	_ =	shalt  }
0x74: {  	_ =	shalt  }
0x75: {  	_ =	shalt  }
0x76: {  	_ =	shalt  }
0x77: {  	_ =	shalt  }
0x78: {  	_ =	shalt  }
0x79: {  	_ =	shalt  }
0x7a: {  	_ =	shalt  }
0x7b: {  	_ =	shalt  }
0x7c: {  	_ =	shalt  }
0x7d: {  	_ =	shalt  }
0x7e: {  	_ =	shalt  }
0x7f: {  	_ =	shalt  }
0x80: {  	_ =	shalt  }
0x81: {  	_ =	shalt  }
0x82: {  	_ =	shalt  }
0x83: {  	_ =	shalt  }
0x84: {  	_ =	shalt  }
0x85: {  	_ =	shalt  }
0x86: {  	_ =	shalt  }
0x87: {  	_ =	shalt  }
.Lfunc_end0:
.L_simem_size_0:
called_computation.2_lowered:
.L_overlay_start_0:
0x88: {  	s2 =	sld [smem:$0x3FD9]  }
0x89: {  	s3 =	sld [smem:$0x3FFE];
	_ =	sdelay $0x1  }
0x8a: {  	s1 =	srdreg.scid  }
0x8b: {  	s0 =	sand.u32 $0x1, s1  }
0x8c: {  	s16 =	sshll.u32 s0, $0xA;
	s2 =	sadd.s32 s3, s2  }
0x8d: {  	s2 =	sadd.s32 s2, s16  }
0x8e: {  	[smem:$0x3FBF] =	sst s2  }
0x8f: {  	_ = 	snop  }
0x90: {  	(tm) =	ssettm $0x1  }
0x91: {  	s17 =	sld [smem:$0x3FFB];
	_ =	sdelay $0x3  }
0x92: {  	_ =	strace s17  }
0x93: {  	s2 =	sld [smem:$0x3FFC];
	_ =	sdelay $0x3  }
0x94: {  	_ =	strace s2  }
0x95: {  	s2 =	sld [smem:$0x3FFD];
	_ =	sdelay $0x3  }
0x96: {  	_ =	strace s2  }
0x97: {  	_ =	strace $0x8FFFFFFF  }
0x98: {  	s18 =	sld [smem:$0x3FDB];
	_ =	sdelay $0x1  }
0x99: {  	s19 =	simm.s32 $_scs_section_size  }
0x9a: {  	s4 =	simm.s32 $_size__tile_overlayer_lowered;
	s5 =	simm.s32 $_tile_overlayer_lowered  }
0x9b: {  	s22 =	simm.s32 $0x1BFF;
	s21 =	sshll.u32 s5, $0x1;
	s2 =	sadd.s32 s19, s18  }
0x9c: {  	s6 =	simm.s32 $0x0;
	s20 =	sshll.u32 s4, $0x1;
	s4 =	sadd.s32 s21, s2  }
0x9d: {  	[timem:s6], [sflag:s22] =	dma.local [hbm:s4], s20  }
0x9e: {  	_ =	swait.ge [sflag:s22], s20  }
0x9f: {  	s3 =	ssub.s32 $0x0, s20;
	[sflag:s22] =	ssyncset.done $0x0  }
0xa0: {  	[sflag:s22] =	ssyncadd.s32 s3;
	_ =	sdelay $0x1  }
0xa1: {  	s23 =	simm.s32 $0x1B8B  }
0xa2: {  	_ =	swait.ge [sflag:s23], $0x1  }
0xa3: {  	[sflag:s23] =	ssyncset.done $0x0  }
0xa4: {  	s25 =	simm.s32 $0x1B8E;
	s24 =	sld [smem:$0x3FFE];
	[sflag:s23] =	ssyncadd.s32 $0xFFFFFFFF  }
0xa5: {  	s26 =	simm.s32 $execute0_lowered;
	[smem:$0x3FD2] =	sst s25  }
0xa6: {  	s4 =	sshll.u32 s26, $0x1;
	_ =	strace $0x8000004C;
	[dreg:$0x1] =	wrdreg $0xFFFFFFFF  }
0xa7: {  	s28 =	simm.s32 $_size_execute0_lowered;
	s2 =	sadd.s32 s2, s4;
	[dreg:$0x0] =	wrdreg $0x0  }
0xa8: {  	s4 =	sshll.u32 s28, $0x1;
	[dreg:$0x2] =	wrdreg s2  }
0xa9: {  	[dreg:$0x3] =	wrdreg s4  }
0xaa: {  	[dreg:$0x4] =	wrdreg $0xC0  }
0xab: {  	_ =	task [dreg:s6], $0x5FFFF  }
0xac: {  	[dreg:$0x1] =	wrdreg $0xFFFFFFFF  }
0xad: {  	[dreg:$0x0] =	wrdreg $0x60  }
0xae: {  	[dreg:$0x2] =	wrdreg s24  }
0xaf: {  	[dreg:$0x3] =	wrdreg $0x29000  }
0xb0: {  	[dreg:$0x4] =	wrdreg $0x9  }
0xb1: {  	_ =	task.clear_ibuf [dreg:s6], $0x5FFFF;
	_ =	strace $0x9000004C  }
0xb2: {  	s29 =	simm.s32 $0x9;
	_ =	strace $0x8000004E  }
0xb3: {  	_ =	swait.ge [sflag:s29], $0x1  }
0xb4: {  	[sflag:s29] =	ssyncadd.s32 $0xFFFFFFFF  }
0xb5: {  	_ =	strace $0x9000004E  }
0xb6: {  	_ =	sfence  }
0xb7: {  	s30 =	sld [smem:$0x0];
	_ =	sdelay $0x2  }
0xb8: {  	s31 =	sshll.u32 s1, $0xD;
	s1 =	sshrl.u32 s1, $0x2  }
0xb9: {  	s3 =	sand.u32 $0x4000, s31;
	s1 =	sadd.s32 s1, s30  }
0xba: {  	s0 =	sor.u32 s3, s0;
	s1 =	sshll.u32 s1, $0x11  }
0xbb: {  	s0 =	sor.u32 s1, s0  }
0xbc: {  	s0 =	sadd.s32 $0x8F2B, s0  }
0xbd: {  	[sflag:s0] =	ssyncadd.remote.s32 $0x1  }
0xbe: {  	_ =	sfence.sel $0xFFFF  }
0xbf: {  	[dreg:$0x0] =	wrdreg $0xFFFFFFFF;
	(pc) =	sbr.abs _section_cstart, $3  }
0xc0: {  	[dreg:$0x1] =	wrdreg $0xFFFFFFFF  }
0xc1: {  	_ =	task.clear_ibuf [dreg:s6], $0x2FFFF;
	_ =	strace $0x9FFFFFFF  }
0xc2: {  	(tm) =	ssettm $0x7FFFFFFF  }
0xc3: {  	_ =	shalt  }
tec
execute0_lowered:
.L_overlay_start_1:
0x0: {  	(tag) =	ssettag $0x1  }
0x1: {  	s5 =	rddreg [dreg:$0x0]  }
0x2: {  	s0 =	srdreg.scid;
	s2 =	rddreg [dreg:$0x1]  }
0x3: {  	s1 =	rddreg [dreg:$0x2];
	s3 =	simm.s32 $0x0;
	s6 =	sand.u32 $0x1, s0  }
0x4: {  	s13 =	simm.s32 $0x80;
	s0 =	stileid.u32;
	s4 =	smul.u32 $0x27100, s6  }
0x5: {  	s14 =	simm.s32 $0x50;
	s15 =	simm.s32 $0x100;
	s7 =	smul.u32 $0x2710, s0  }
0x6: {  	s16 =	simm.s32 $0x1;
	[smem:$0x7FF] =	sst s3;
	s26 =	smul.u32 $0x14000, s0  }
0x7: {  	s17 =	simm.s32 $0x0;
	_ =	strace $0x8000004D;
	s9 =	smul.u32 $0x140000, s6  }
0x8: {  	s6 =	ssub.s32 $0x2, s6;
	s29 =	smul.u32 $0x50000, s0;
	s31 =	sshll.u32 s0, $0x6  }
0x9: {  	s11 =	sshrl.u32 s6, $0x1;
	s4 =	sadd.s32 s7, s4;
	s28 =	sshrl.u32 s26, $0x3  }
0xa: {  	s7 =	sadd.s32 s26, s9;
	s11 =	ssub.s32 s6, s11;
	s30 =	sshrl.u32 s29, $0x2  }
0xb: {  	s6 =	sor.u32 $0x1C02, s31;
	s8 =	sshrl.u32 s4, $0x3;
	s4 =	sadd.s32 $0x16000, s5  }
0xc: {  	s7 =	sshrl.u32 s7, $0x3;
	s10 =	sadd.s32 s8, s5;
	s8 =	sadd.s32 s28, s5  }
0xd: {  	s12 =	sadd.s32 s30, s2;
	s7 =	sadd.s32 s7, s5;
	s5 =	sadd.s32 $0x3D200, s8  }
0xe: {  	s7 =	sadd.s32 $0x65200, s7;
	s8 =	smax.u32 s11, $0x1;
	s9 =	sadd.s32 $0xC200, s10  }
0xf: {  	s10 =	sadd.s32 $0x2400, s10;
	s11 =	sshrl.u32 s12, $0x3;
	s12 =	simm.s32 $0x2  }
.LBB2_1:
0x10: {  	[spmem:s11], [sflag:s6] =	dma.local [hbm:s5], $0x2800  }
0x11: {  	_ =	swait.ge [sflag:s12], $0x2800  }
0x12: {  	[sflag:s12] =	ssyncset.done $0x0  }
0x13: {  	[sflag:s12] =	ssyncadd.s32 $0xFFFFD800  }
0x14: {  	s18 =	sadd.s32 $0x0, s10;
	[bflag:$0x0] =	sbarrier.arrive $0xFFFF  }
0x15: {  	[tilespmem:s3], [sflag:$0x2] =	stream.linear.gather [hbm4b:s18+s3], $0x50, $0x38;
	[tilespmem:$0x16900] =	vst v63  }
0x16: {  	_ =	swait.ge [sflag:s12], $0x50  }
0x17: {  	[sflag:s12] =	ssyncset.done $0x0  }
0x18: {  	s31 =	sadd.s32 $0x0, s9;
	[sflag:s12] =	ssyncadd.s32 $0xFFFFFFB0  }
0x19: {  	[tilespmem:s13], [sflag:$0x2] =	stream.linear.gather [hbm4b:s31+s3], $0x50, $0x38;
	[tilespmem:$0x16900] =	vst v63  }
0x1a: {  	_ =	swait.ge [sflag:s12], $0x50  }
0x1b: {  	[sflag:s12] =	ssyncset.done $0x0  }
0x1c: {  	[sflag:s12] =	ssyncadd.s32 $0xFFFFFFB0  }
0x1d: {  	[tilespmem:s15], [sflag:$0x1] =	stream.indirect.gather [hbm4b:s4+s14], $0x80, s3, s14, $0xb8;
	[tilespmem:$0x16900] =	vst v63  }
0x1e: {  	_ =	swait.ge [sflag:s16], $0x2800  }
0x1f: {  	[sflag:s16] =	ssyncset.done $0x0  }
0x20: {  	[sflag:s16] =	ssyncadd.s32 $0xFFFFD800  }
0x21: {  	[spmem:s2] =	stream.indirect.scatter.add.f32 [tilespmem:s15], [sflag:$0x2], $0x80, s13, s14, $0xb8;
	[tilespmem:$0x16900] =	vst v63  }
0x22: {  	_ =	swait.ge [sflag:s12], $0x2800  }
0x23: {  	s19 =	simm.s32 $0x14;
	s18 =	simm.s32 $0xA;
	[sflag:s12] =	ssyncset.done $0x0  }
.LBB2_2:
0x24: {  	s20 =	sadd.s32 s18, s10  }
0x25: {  	[sflag:s12] =	ssyncadd.s32 $0xFFFFD800;
	s21 =	smov.u32 s19;
	s22 =	sadd.s32 $0xA, s19  }
0x26: {  	[tilespmem:s3], [sflag:$0x2] =	stream.linear.gather [hbm4b:s20+s3], $0x50, $0x38;
	[tilespmem:$0x16900] =	vst v63  }
0x27: {  	p0 =	sne.s32 s19, $0x4D8;
	_ =	swait.ge [sflag:s12], $0x50  }
0x28: {  	[sflag:s12] =	ssyncset.done $0x0  }
0x29: {  	s19 =	sadd.s32 s18, s9;
	s18 =	smov.u32 s21;
	[sflag:s12] =	ssyncadd.s32 $0xFFFFFFB0  }
0x2a: {  	[tilespmem:s13], [sflag:$0x2] =	stream.linear.gather [hbm4b:s19+s3], $0x50, $0x38;
	[tilespmem:$0x16900] =	vst v63  }
0x2b: {  	_ =	swait.ge [sflag:s12], $0x50  }
0x2c: {  	[sflag:s12] =	ssyncset.done $0x0  }
0x2d: {  	[sflag:s12] =	ssyncadd.s32 $0xFFFFFFB0  }
0x2e: {  	[tilespmem:s15], [sflag:$0x1] =	stream.indirect.gather [hbm4b:s4+s14], $0x80, s3, s14, $0xb8;
	[tilespmem:$0x16900] =	vst v63  }
0x2f: {  	_ =	swait.ge [sflag:s16], $0x2800  }
.Ltmp0:
0x30: {  	[sflag:s16] =	ssyncset.done $0x0;
	(pc) =	sbr.rel @p0 .LBB2_2-.Ltmp0, $4  }
0x31: {  	[sflag:s16] =	ssyncadd.s32 $0xFFFFD800  }
0x32: {  	[spmem:s2] =	stream.indirect.scatter.add.f32 [tilespmem:s15], [sflag:$0x2], $0x80, s13, s14, $0xb8;
	[tilespmem:$0x16900] =	vst v63  }
0x33: {  	_ =	swait.ge [sflag:s12], $0x2800  }
0x34: {  	s19 =	smov.u32 s22;
	[sflag:s12] =	ssyncset.done $0x0  }
0x35: {  	s19 =	sadd.s32 s18, s10;
	[sflag:s12] =	ssyncadd.s32 $0xFFFFD800  }
0x36: {  	[tilespmem:s3], [sflag:$0x2] =	stream.linear.gather [hbm4b:s19+s3], $0x50, $0x38;
	[tilespmem:$0x16900] =	vst v63  }
0x37: {  	_ =	swait.ge [sflag:s12], $0x50  }
0x38: {  	[sflag:s12] =	ssyncset.done $0x0  }
0x39: {  	s31 =	sadd.s32 s18, s9;
	[sflag:s12] =	ssyncadd.s32 $0xFFFFFFB0  }
0x3a: {  	[tilespmem:s13], [sflag:$0x2] =	stream.linear.gather [hbm4b:s31+s3], $0x50, $0x38;
	[tilespmem:$0x16900] =	vst v63  }
0x3b: {  	_ =	swait.ge [sflag:s12], $0x50  }
0x3c: {  	[sflag:s12] =	ssyncset.done $0x0  }
0x3d: {  	[sflag:s12] =	ssyncadd.s32 $0xFFFFFFB0  }
0x3e: {  	[tilespmem:s15], [sflag:$0x1] =	stream.indirect.gather [hbm4b:s4+s14], $0x80, s3, s14, $0xb8;
	[tilespmem:$0x16900] =	vst v63  }
0x3f: {  	_ =	swait.ge [sflag:s16], $0x2800  }
0x40: {  	[sflag:s16] =	ssyncset.done $0x0  }
0x41: {  	[sflag:s16] =	ssyncadd.s32 $0xFFFFD800  }
0x42: {  	[spmem:s2] =	stream.indirect.scatter.add.f32 [tilespmem:s15], [sflag:$0x2], $0x80, s13, s14, $0xb8;
	[tilespmem:$0x16900] =	vst v63  }
0x43: {  	_ =	swait.ge [sflag:s12], $0x2800  }
0x44: {  	s17 =	sadd.s32 $0x1, s17;
	[sflag:s12] =	ssyncset.done $0x0  }
0x45: {  	p0 =	sne.s32 s17, s8;
	[sflag:s12] =	ssyncadd.s32 $0xFFFFD800  }
.Ltmp1:
0x46: {  	[bflag:$0x0] =	sbarrier.arrive $0xFFFF;
	(pc) =	sbr.rel @p0 .LBB2_1-.Ltmp1, $4  }
0x47: {  	[hbm:s7], [sflag:s6] =	dma.local [spmem:s11], $0x2800  }
0x48: {  	_ =	swait.ge [sflag:s12], $0x2800  }
0x49: {  	[sflag:s12] =	ssyncset.done $0x0  }
0x4a: {  	[sflag:s12] =	ssyncadd.s32 $0xFFFFD800  }
0x4b: {  	_ =	sfence.sel $0x180000  }
0x4c: {  	[bflag:$0x0] =	sbarrier.arrive $0xFFFF  }
0x4d: {  	p0 =	sne.s32 s0, $0x0;
	_ =	strace $0x9000004D  }
0x4e: {  	s0 =	sadd.s32 @!p0 $0x100000, s1;
	[bflag:$0x2] =	sbarrier.arrive $0xFFFF  }
0x4f: {  	[sflag:s0] =	ssyncadd.tile.s32 @!p0 $0x1;
	_ =	shalt  }
.Lfunc_end2:
_tile_overlayer_lowered:
.L_overlay_start_2:
0x50: {  	(tag) =	ssettag $0x2  }
0x51: {  	s0 =	rddreg [dreg:$0x0];
	s2 =	stileid.u32  }
0x52: {  	s1 =	rddreg [dreg:$0x1];
	p0 =	sne.s32 s2, $0x0  }
0x53: {  	s3 =	rddreg [dreg:$0x2];
	[bflag:$0x3] =	sbarrier.arrive $0xFFFF;
	s2 =	simm.s32 @!p0 $0x1C02  }
0x54: {  	[timem:s3], [sflag:s2] =	dma.local @!p0 [hbm:s0], s1  }
0x55: {  	s0 =	simm.s32 @!p0 $0x2  }
0x56: {  	_ =	swait.ge @!p0 [sflag:s0], s1  }
0x57: {  	s1 =	ssub.s32 @!p0 $0x0, s1;
	[sflag:s0] =	ssyncset.done @!p0 $0x0  }
0x58: {  	[sflag:s0] =	ssyncadd.s32 @!p0 s1  }
0x59: {  	[bflag:$0x3] =	sbarrier.arrive $0xFFFF  }
0x5a: {  	_ =	shalt  }

// kernel: kernel.8.cloned.1.call-start
scs
__scs_entry_jumppad:
0x0: {  	(pc) =	sbr.rel $0x88, $3  }
0x1: {  	(tag) =	ssettag $0x0;
	lr =	simm.s32 $0x1  }
0x2: {  	[smem:$0x3F98] =	sst lr;
	_ =	strace $0xD0000000  }
0x3: {  	_ = 	snop  }
0x4: {  	_ = 	snop  }
0x5: {  	_ = 	snop  }
0x6: {  	_ = 	snop  }
0x7: {  	_ = 	snop  }
__scs_overlays_trampoline_lowered:
0x8: {  	[smem:$0x3FA7] =	sst s0  }
0x9: {  	[smem:$0x3FA8] =	sst s1  }
0xa: {  	[smem:$0x3FA9] =	sst s2  }
0xb: {  	[smem:$0x3FAA] =	sst s3  }
0xc: {  	[smem:$0x3FAB] =	sst s4  }
0xd: {  	[smem:$0x3FAC] =	sst s5  }
0xe: {  	[smem:$0x3FAD] =	sst s6  }
0xf: {  	[smem:$0x3FAE] =	sst s7  }
0x10: {  	[smem:$0x3FAF] =	sst s8  }
0x11: {  	[smem:$0x3FB0] =	sst s9;
	s0 =	simm.s32 @!p0 $0x0  }
0x12: {  	s1 =	sld [smem:$0x3F96];
	s0 =	simm.s32 @p0 $0x1  }
0x13: {  	[smem:$0x3FB1] =	sst s0;
	s0 =	simm.s32 @!p1 $0x0  }
0x14: {  	s2 =	sld [smem:$0x3F95];
	s0 =	simm.s32 @p1 $0x1  }
0x15: {  	[smem:$0x3FB2] =	sst s0;
	s0 =	simm.s32 @!p2 $0x0  }
0x16: {  	s3 =	sld [smem:$0x3FDB];
	s0 =	simm.s32 @p2 $0x1  }
0x17: {  	s4 =	simm.s32 $0x1BF5;
	[smem:$0x3FB4] =	sst s0  }
0x18: {  	s0 =	sld [smem:$0x3F97];
	_ =	swait.ge [sflag:s4], $0x0  }
0x19: {  	s7 =	sld [smem:$0x3F98]  }
0x1a: {  	s8 =	sadd.s32 $0xFFFFE003, lr  }
0x1b: {  	s9 =	sadd.s32 $0xFFFFFEF7, lr;
	s5 =	simm.s32 $0xFFFFFFFF;
	p2 =	slt.u32 s8, $0xFFFFF086  }
0x1c: {  	p1 =	slt.u32 s9, $0xF7A;
	s5 =	simm.s32 @!p2 $0x0  }
0x1d: {  	s5 =	simm.s32 @p1 $0x1;
	p0 =	seq.s32 s7, s2  }
0x1e: {  	s7 =	smul.u32 @!p0 $0xF7A, s2;
	p2 =	seq.s32 @!p0 s5, $0x0  }
0x1f: {  	s9 =	smul.u32 $0xF7A, s1;
	s8 =	simm.s32 @!p0 $0x1BF5;
	p2 =	por !p2, p0  }
0x20: {  	[sflag:s8] =	ssyncset.s32 @!p0 $0xFFFFF086;
	s6 =	sadd.s32 @!p0 s3, s7;
	s7 =	simm.s32 @!p0 $0x108  }
0x21: {  	s3 =	sadd.s32 s3, s9;
	s6 =	sadd.s32 @!p0 $0x88, s6;
	s7 =	simm.s32 @p2 $0x1082  }
0x22: {  	[simem:s7], [sflag:s8] =	dma.local @!p0 [hbm:s6], $0xF7A  }
0x23: {  	s9 =	sor.u32 $0xD0000000, s2;
	s6 =	simm.s32 $0x108;
	_ =	swait.ge @!p0 [sflag:s8], $0x0  }
0x24: {  	s3 =	sadd.s32 $0x88, s3;
	s6 =	simm.s32 @!p1 $0x1082;
	[sflag:s4] =	ssyncset.s32 $0xFFFFF086  }
0x25: {  	[simem:s6], [sflag:s4] =	dma.local [hbm:s3], $0xF7A  }
0x26: {  	[smem:$0x3F98] =	sst s1;
	(tag) =	ssettag s2;
	_ =	strace s9  }
0x27: {  	s1 =	sld [smem:$0x3FA8]  }
0x28: {  	s2 =	sld [smem:$0x3FA9]  }
0x29: {  	s4 =	sld [smem:$0x3FAB]  }
0x2a: {  	p0 =	seq.s32 s5, $0x0;
	s5 =	sld [smem:$0x3FAC]  }
0x2b: {  	s6 =	sld [smem:$0x3FAD]  }
0x2c: {  	s7 =	sld [smem:$0x3FAE]  }
0x2d: {  	s3 =	simm.s32 $0x108;
	s8 =	sld [smem:$0x3FAF]  }
0x2e: {  	s3 =	simm.s32 @!p0 $0x1082;
	s9 =	sld [smem:$0x3FB0]  }
0x2f: {  	lr =	sadd.s32 s0, s3;
	s0 =	sld [smem:$0x3FA7]  }
0x30: {  	s3 =	sld [smem:$0x3FAA]  }
0x31: {  	[smem:$0x3FB3] =	sst s10  }
0x32: {  	s10 =	sld [smem:$0x3FB1];
	_ =	sdelay $0x3  }
0x33: {  	p0 =	seq.s32 s10, $0x1;
	s10 =	sld [smem:$0x3FB3];
	_ =	sdelay $0x3  }
0x34: {  	[smem:$0x3FB3] =	sst s10  }
0x35: {  	s10 =	sld [smem:$0x3FB2];
	_ =	sdelay $0x3  }
0x36: {  	p1 =	seq.s32 s10, $0x1;
	s10 =	sld [smem:$0x3FB3];
	_ =	sdelay $0x3  }
0x37: {  	[smem:$0x3FB3] =	sst s10  }
0x38: {  	s10 =	sld [smem:$0x3FB4]  }
0x39: {  	_ = 	snop;
	(pc) =	sbr.ind lr, $3  }
0x3a: {  	_ = 	snop  }
0x3b: {  	_ = 	snop  }
0x3c: {  	p2 =	seq.s32 s10, $0x1;
	s10 =	sld [smem:$0x3FB3]  }
0x3d: {  	_ =	shalt  }
0x3e: {  	_ =	shalt  }
0x3f: {  	_ =	shalt  }
0x40: {  	_ =	shalt  }
0x41: {  	_ =	shalt  }
0x42: {  	_ =	shalt  }
0x43: {  	_ =	shalt  }
0x44: {  	_ =	shalt  }
0x45: {  	_ =	shalt  }
0x46: {  	_ =	shalt  }
0x47: {  	_ =	shalt  }
0x48: {  	_ =	shalt  }
0x49: {  	_ =	shalt  }
0x4a: {  	_ =	shalt  }
0x4b: {  	_ =	shalt  }
0x4c: {  	_ =	shalt  }
0x4d: {  	_ =	shalt  }
0x4e: {  	_ =	shalt  }
0x4f: {  	_ =	shalt  }
0x50: {  	_ =	shalt  }
0x51: {  	_ =	shalt  }
0x52: {  	_ =	shalt  }
0x53: {  	_ =	shalt  }
0x54: {  	_ =	shalt  }
0x55: {  	_ =	shalt  }
0x56: {  	_ =	shalt  }
0x57: {  	_ =	shalt  }
0x58: {  	_ =	shalt  }
0x59: {  	_ =	shalt  }
0x5a: {  	_ =	shalt  }
0x5b: {  	_ =	shalt  }
0x5c: {  	_ =	shalt  }
0x5d: {  	_ =	shalt  }
0x5e: {  	_ =	shalt  }
0x5f: {  	_ =	shalt  }
0x60: {  	_ =	shalt  }
0x61: {  	_ =	shalt  }
0x62: {  	_ =	shalt  }
0x63: {  	_ =	shalt  }
0x64: {  	_ =	shalt  }
0x65: {  	_ =	shalt  }
0x66: {  	_ =	shalt  }
0x67: {  	_ =	shalt  }
0x68: {  	_ =	shalt  }
0x69: {  	_ =	shalt  }
0x6a: {  	_ =	shalt  }
0x6b: {  	_ =	shalt  }
0x6c: {  	_ =	shalt  }
0x6d: {  	_ =	shalt  }
0x6e: {  	_ =	shalt  }
0x6f: {  	_ =	shalt  }
0x70: {  	_ =	shalt  }
0x71: {  	_ =	shalt  }
0x72: {  	_ =	shalt  }
0x73: {  	_ =	shalt  }
0x74: {  	_ =	shalt  }
0x75: {  	_ =	shalt  }
0x76: {  	_ =	shalt  }
0x77: {  	_ =	shalt  }
0x78: {  	_ =	shalt  }
0x79: {  	_ =	shalt  }
0x7a: {  	_ =	shalt  }
0x7b: {  	_ =	shalt  }
0x7c: {  	_ =	shalt  }
0x7d: {  	_ =	shalt  }
0x7e: {  	_ =	shalt  }
0x7f: {  	_ =	shalt  }
0x80: {  	_ =	shalt  }
0x81: {  	_ =	shalt  }
0x82: {  	_ =	shalt  }
0x83: {  	_ =	shalt  }
0x84: {  	_ =	shalt  }
0x85: {  	_ =	shalt  }
0x86: {  	_ =	shalt  }
0x87: {  	_ =	shalt  }
.Lfunc_end0:
.L_simem_size_0:
called_computation_lowered:
.L_overlay_start_0:
0x88: {  	s2 =	sld [smem:$0x3FD9]  }
0x89: {  	s3 =	sld [smem:$0x3FFE];
	_ =	sdelay $0x1  }
0x8a: {  	s1 =	srdreg.scid  }
0x8b: {  	s0 =	sand.u32 $0x1, s1  }
0x8c: {  	s16 =	sshll.u32 s0, $0xA;
	s2 =	sadd.s32 s3, s2  }
0x8d: {  	s2 =	sadd.s32 s2, s16  }
0x8e: {  	[smem:$0x3FBF] =	sst s2  }
0x8f: {  	_ = 	snop  }
0x90: {  	(tm) =	ssettm $0x1  }
0x91: {  	s17 =	sld [smem:$0x3FFB];
	_ =	sdelay $0x3  }
0x92: {  	_ =	strace s17  }
0x93: {  	s2 =	sld [smem:$0x3FFC];
	_ =	sdelay $0x3  }
0x94: {  	_ =	strace s2  }
0x95: {  	s2 =	sld [smem:$0x3FFD];
	_ =	sdelay $0x3  }
0x96: {  	_ =	strace s2  }
0x97: {  	_ =	strace $0x8FFFFFFF  }
0x98: {  	s18 =	sld [smem:$0x3FDB];
	_ =	sdelay $0x1  }
0x99: {  	s19 =	simm.s32 $_scs_section_size  }
0x9a: {  	s4 =	simm.s32 $_size__tile_overlayer_lowered;
	s5 =	simm.s32 $_tile_overlayer_lowered  }
0x9b: {  	s22 =	simm.s32 $0x1BFF;
	s21 =	sshll.u32 s5, $0x1;
	s2 =	sadd.s32 s19, s18  }
0x9c: {  	s6 =	simm.s32 $0x0;
	s20 =	sshll.u32 s4, $0x1;
	s4 =	sadd.s32 s21, s2  }
0x9d: {  	[timem:s6], [sflag:s22] =	dma.local [hbm:s4], s20  }
0x9e: {  	_ =	swait.ge [sflag:s22], s20  }
0x9f: {  	s3 =	ssub.s32 $0x0, s20;
	[sflag:s22] =	ssyncset.done $0x0  }
0xa0: {  	[sflag:s22] =	ssyncadd.s32 s3;
	_ =	sdelay $0x1  }
0xa1: {  	s23 =	simm.s32 $0x1B8B  }
0xa2: {  	_ =	swait.ge [sflag:s23], $0x1  }
0xa3: {  	[sflag:s23] =	ssyncset.done $0x0  }
0xa4: {  	s25 =	simm.s32 $0x1B8E;
	s24 =	sld [smem:$0x3FFE];
	[sflag:s23] =	ssyncadd.s32 $0xFFFFFFFF  }
0xa5: {  	s26 =	simm.s32 $execute0_lowered;
	[smem:$0x3FD2] =	sst s25  }
0xa6: {  	s4 =	sshll.u32 s26, $0x1;
	_ =	strace $0x80000046;
	[dreg:$0x1] =	wrdreg $0xFFFFFFFF  }
0xa7: {  	s28 =	simm.s32 $_size_execute0_lowered;
	s2 =	sadd.s32 s2, s4;
	[dreg:$0x0] =	wrdreg $0x0  }
0xa8: {  	s4 =	sshll.u32 s28, $0x1;
	[dreg:$0x2] =	wrdreg s2  }
0xa9: {  	[dreg:$0x3] =	wrdreg s4  }
0xaa: {  	[dreg:$0x4] =	wrdreg $0xC0  }
0xab: {  	_ =	task [dreg:s6], $0x5FFFF  }
0xac: {  	[dreg:$0x1] =	wrdreg $0xFFFFFFFF  }
0xad: {  	[dreg:$0x0] =	wrdreg $0x60  }
0xae: {  	[dreg:$0x2] =	wrdreg s24  }
0xaf: {  	[dreg:$0x3] =	wrdreg $0x3800  }
0xb0: {  	[dreg:$0x4] =	wrdreg $0x9  }
0xb1: {  	_ =	task.clear_ibuf [dreg:s6], $0x5FFFF;
	_ =	strace $0x90000046  }
0xb2: {  	s29 =	simm.s32 $0x9;
	_ =	strace $0x80000048  }
0xb3: {  	_ =	swait.ge [sflag:s29], $0x1  }
0xb4: {  	[sflag:s29] =	ssyncadd.s32 $0xFFFFFFFF  }
0xb5: {  	_ =	strace $0x90000048  }
0xb6: {  	_ =	sfence  }
0xb7: {  	s30 =	sld [smem:$0x0];
	_ =	sdelay $0x2  }
0xb8: {  	s31 =	sshll.u32 s1, $0xD;
	s1 =	sshrl.u32 s1, $0x2  }
0xb9: {  	s3 =	sand.u32 $0x4000, s31;
	s1 =	sadd.s32 s1, s30  }
0xba: {  	s0 =	sor.u32 s3, s0;
	s1 =	sshll.u32 s1, $0x11  }
0xbb: {  	s0 =	sor.u32 s1, s0  }
0xbc: {  	s0 =	sadd.s32 $0x8F2B, s0  }
0xbd: {  	[sflag:s0] =	ssyncadd.remote.s32 $0x1  }
0xbe: {  	_ =	sfence.sel $0xFFFF  }
0xbf: {  	[dreg:$0x0] =	wrdreg $0xFFFFFFFF;
	(pc) =	sbr.abs _section_cstart, $3  }
0xc0: {  	[dreg:$0x1] =	wrdreg $0xFFFFFFFF  }
0xc1: {  	_ =	task.clear_ibuf [dreg:s6], $0x2FFFF;
	_ =	strace $0x9FFFFFFF  }
0xc2: {  	(tm) =	ssettm $0x7FFFFFFF  }
0xc3: {  	_ =	shalt  }
tec
execute0_lowered:
.L_overlay_start_1:
0x0: {  	(tag) =	ssettag $0x1  }
0x1: {  	s4 =	rddreg [dreg:$0x0];
	s0 =	srdreg.scid  }
0x2: {  	s2 =	rddreg [dreg:$0x1];
	s1 =	stileid.u32;
	s3 =	simm.s32 $0x0  }
0x3: {  	s10 =	simm.s32 $0x50;
	s11 =	simm.s32 $0x80;
	s14 =	simm.s32 $0x20  }
0x4: {  	s15 =	simm.s32 $0x10;
	s16 =	simm.s32 $0x0;
	s7 =	smul.u32 $0x2710, s1  }
0x5: {  	s5 =	sand.u32 $0x1, s0;
	s0 =	rddreg [dreg:$0x2];
	s8 =	smul.u32 $0x500, s1  }
0x6: {  	[smem:$0x7FF] =	sst s3;
	s26 =	smul.u32 $0xA00, s1;
	s12 =	sshll.u32 s1, $0x6  }
0x7: {  	s6 =	smul.u32 $0x27100, s5;
	s25 =	sshll.u32 s5, $0x7;
	s5 =	ssub.s32 $0x2, s5  }
0x8: {  	_ =	strace $0x80000047;
	s12 =	sor.u32 $0x1C01, s12;
	s29 =	sshrl.u32 s5, $0x1  }
0x9: {  	s30 =	sshrl.u32 s26, $0x2;
	s6 =	sadd.s32 s7, s6;
	s7 =	sor.u32 s25, s8  }
0xa: {  	s31 =	ssub.s32 s5, s29;
	s6 =	sshrl.u32 s6, $0x3;
	s28 =	sshrl.u32 s7, $0x3  }
0xb: {  	s8 =	simm.s32 $0x100;
	s9 =	sadd.s32 s6, s4;
	s6 =	sadd.s32 s28, s4  }
0xc: {  	s4 =	sadd.s32 s30, s2;
	s5 =	sadd.s32 $0x16000, s6;
	s6 =	smax.u32 s31, $0x1  }
0xd: {  	v0 =	vimm.f32 $1.000000000e+00;
	v1 =	vimm.f32 $0.0e+00;
	s7 =	sadd.s32 $0xC200, s9;
	s9 =	simm.s32 $0x1;
	s13 =	sshrl.u32 s4, $0x3  }
.LBB2_1:
0xe: {  	[tilespmem:$0x80] =	vst v0  }
0xf: {  	[tilespmem:$0x90] =	vst v0  }
0x10: {  	[tilespmem:$0xA0] =	vst v0  }
0x11: {  	[tilespmem:$0xB0] =	vst v0  }
0x12: {  	[tilespmem:$0xC0] =	vst v0  }
0x13: {  	[tilespmem:$0x100] =	vst v1  }
0x14: {  	[tilespmem:$0x110] =	vst v1  }
0x15: {  	[tilespmem:$0x120] =	vst v1  }
0x16: {  	[tilespmem:$0x130] =	vst v1  }
0x17: {  	[tilespmem:$0x140] =	vst v1  }
0x18: {  	[tilespmem:$0x150] =	vst v1  }
0x19: {  	[tilespmem:$0x160] =	vst v1  }
0x1a: {  	[tilespmem:$0x170] =	vst v1  }
0x1b: {  	[tilespmem:$0x180] =	vst v1  }
0x1c: {  	[tilespmem:$0x190] =	vst v1  }
0x1d: {  	[tilespmem:$0x1A0] =	vst v1  }
0x1e: {  	[tilespmem:$0x1B0] =	vst v1  }
0x1f: {  	[tilespmem:$0x1C0] =	vst v1  }
0x20: {  	[tilespmem:$0x1D0] =	vst v1  }
0x21: {  	[tilespmem:$0x1E0] =	vst v1  }
0x22: {  	[tilespmem:$0x1F0] =	vst v1  }
0x23: {  	[tilespmem:$0x200] =	vst v1  }
0x24: {  	[tilespmem:$0x210] =	vst v1  }
0x25: {  	[tilespmem:$0x220] =	vst v1  }
0x26: {  	[tilespmem:$0x230] =	vst v1  }
0x27: {  	[tilespmem:$0x240] =	vst v1  }
0x28: {  	[tilespmem:$0x250] =	vst v1  }
0x29: {  	[tilespmem:$0x260] =	vst v1  }
0x2a: {  	[tilespmem:$0x270] =	vst v1  }
0x2b: {  	[tilespmem:$0x280] =	vst v1  }
0x2c: {  	[tilespmem:$0x290] =	vst v1  }
0x2d: {  	[tilespmem:$0x2A0] =	vst v1  }
0x2e: {  	[tilespmem:$0x2B0] =	vst v1  }
0x2f: {  	[tilespmem:$0x2C0] =	vst v1  }
0x30: {  	[tilespmem:$0x2D0] =	vst v1  }
0x31: {  	[tilespmem:$0x2E0] =	vst v1  }
0x32: {  	[tilespmem:$0x2F0] =	vst v1  }
0x33: {  	[tilespmem:$0x300] =	vst v1  }
0x34: {  	[tilespmem:$0x310] =	vst v1  }
0x35: {  	[tilespmem:$0x320] =	vst v1  }
0x36: {  	[tilespmem:$0x330] =	vst v1  }
0x37: {  	[tilespmem:$0x340] =	vst v1  }
0x38: {  	[tilespmem:$0x350] =	vst v1  }
0x39: {  	[tilespmem:$0x360] =	vst v1  }
0x3a: {  	[tilespmem:$0x370] =	vst v1  }
0x3b: {  	[spmem:s4] =	stream.linear.scatter [tilespmem:s8], [sflag:$0x1], $0x280, $0x38;
	[tilespmem:$0x600] =	vst v63  }
0x3c: {  	_ =	swait.ge [sflag:s9], $0x280  }
0x3d: {  	[sflag:s9] =	ssyncset.done $0x0  }
0x3e: {  	[sflag:s9] =	ssyncadd.s32 $0xFFFFFD80  }
0x3f: {  	s17 =	sadd.s32 $0x0, s7;
	[bflag:$0x0] =	sbarrier.arrive $0xFFFF  }
0x40: {  	[tilespmem:s3], [sflag:$0x1] =	stream.linear.gather [hbm4b:s17+s3], $0x50, $0x38;
	[tilespmem:$0x600] =	vst v63  }
0x41: {  	_ =	swait.ge [sflag:s9], $0x50  }
0x42: {  	[sflag:s9] =	ssyncset.done $0x0  }
0x43: {  	[sflag:s9] =	ssyncadd.s32 $0xFFFFFFB0  }
0x44: {  	[spmem:s2] =	stream.indirect.scatter.add.f32 [tilespmem:s11], [sflag:$0x1], $0x1, s3, s10, $0xb8;
	[tilespmem:$0x600] =	vst v63  }
0x45: {  	_ =	swait.ge [sflag:s9], $0x50  }
0x46: {  	s18 =	simm.s32 $0x14;
	s17 =	simm.s32 $0xA;
	[sflag:s9] =	ssyncset.done $0x0  }
.LBB2_2:
0x47: {  	s19 =	sadd.s32 s17, s7  }
0x48: {  	[sflag:s9] =	ssyncadd.s32 $0xFFFFFFB0;
	s17 =	smov.u32 s18;
	s20 =	sadd.s32 $0xA, s18  }
0x49: {  	[tilespmem:s3], [sflag:$0x1] =	stream.linear.gather [hbm4b:s19+s3], $0x50, $0x38;
	[tilespmem:$0x600] =	vst v63  }
0x4a: {  	p0 =	sne.s32 s18, $0x4D8;
	_ =	swait.ge [sflag:s9], $0x50  }
.Ltmp0:
0x4b: {  	[sflag:s9] =	ssyncset.done $0x0;
	(pc) =	sbr.rel @p0 .LBB2_2-.Ltmp0, $4  }
0x4c: {  	[sflag:s9] =	ssyncadd.s32 $0xFFFFFFB0  }
0x4d: {  	[spmem:s2] =	stream.indirect.scatter.add.f32 [tilespmem:s11], [sflag:$0x1], $0x1, s3, s10, $0xb8;
	[tilespmem:$0x600] =	vst v63  }
0x4e: {  	_ =	swait.ge [sflag:s9], $0x50  }
0x4f: {  	s18 =	smov.u32 s20;
	[sflag:s9] =	ssyncset.done $0x0  }
0x50: {  	s17 =	sadd.s32 s17, s7;
	[sflag:s9] =	ssyncadd.s32 $0xFFFFFFB0  }
0x51: {  	[tilespmem:s3], [sflag:$0x1] =	stream.linear.gather [hbm4b:s17+s3], $0x50, $0x38;
	[tilespmem:$0x600] =	vst v63  }
0x52: {  	_ =	swait.ge [sflag:s9], $0x50  }
0x53: {  	[sflag:s9] =	ssyncset.done $0x0  }
0x54: {  	[sflag:s9] =	ssyncadd.s32 $0xFFFFFFB0  }
0x55: {  	[spmem:s2] =	stream.indirect.scatter.add.f32 [tilespmem:s11], [sflag:$0x1], $0x1, s3, s10, $0xb8;
	[tilespmem:$0x600] =	vst v63  }
0x56: {  	_ =	swait.ge [sflag:s9], $0x50  }
0x57: {  	s16 =	sadd.s32 $0x1, s16;
	[sflag:s9] =	ssyncset.done $0x0  }
0x58: {  	p0 =	sne.s32 s16, s6;
	[sflag:s9] =	ssyncadd.s32 $0xFFFFFFB0  }
.Ltmp1:
0x59: {  	[bflag:$0x0] =	sbarrier.arrive $0xFFFF;
	(pc) =	sbr.rel @p0 .LBB2_1-.Ltmp1, $4  }
0x5a: {  	[hbm:s5@s14], [sflag:s12] =	dma.strided [spmem:s13@s15], $0x50, s9, $0x10   }
0x5b: {  	_ =	swait.ge [sflag:s9], $0x50  }
0x5c: {  	[sflag:s9] =	ssyncset.done $0x0  }
0x5d: {  	[sflag:s9] =	ssyncadd.s32 $0xFFFFFFB0  }
0x5e: {  	_ =	sfence.sel $0x180000  }
0x5f: {  	[bflag:$0x0] =	sbarrier.arrive $0xFFFF  }
0x60: {  	p0 =	sne.s32 s1, $0x0;
	_ =	strace $0x90000047  }
0x61: {  	s0 =	sadd.s32 @!p0 $0x100000, s0;
	[bflag:$0x2] =	sbarrier.arrive $0xFFFF  }
0x62: {  	[sflag:s0] =	ssyncadd.tile.s32 @!p0 $0x1;
	_ =	shalt  }
.Lfunc_end2:
_tile_overlayer_lowered:
.L_overlay_start_2:
0x63: {  	(tag) =	ssettag $0x2  }
0x64: {  	s0 =	rddreg [dreg:$0x0];
	s2 =	stileid.u32  }
0x65: {  	s1 =	rddreg [dreg:$0x1];
	p0 =	sne.s32 s2, $0x0  }
0x66: {  	s3 =	rddreg [dreg:$0x2];
	[bflag:$0x3] =	sbarrier.arrive $0xFFFF;
	s2 =	simm.s32 @!p0 $0x1C01  }
0x67: {  	[timem:s3], [sflag:s2] =	dma.local @!p0 [hbm:s0], s1  }
0x68: {  	s0 =	simm.s32 @!p0 $0x1  }
0x69: {  	_ =	swait.ge @!p0 [sflag:s0], s1  }
0x6a: {  	s1 =	ssub.s32 @!p0 $0x0, s1;
	[sflag:s0] =	ssyncset.done @!p0 $0x0  }
0x6b: {  	[sflag:s0] =	ssyncadd.s32 @!p0 s1  }
0x6c: {  	[bflag:$0x3] =	sbarrier.arrive $0xFFFF  }
0x6d: {  	_ =	shalt  }

</sc_bundles>
